<compile_context>
chip_gen: v7x
topology: tpu7x:2x2x1
jax: 0.10.2.dev20260603
libtpu: 0.0.44.dev20260713+nightly
codegen_flags: <defaults>
</compile_context>

<pallas_src>
import functools

import jax
import jax.numpy as jnp
from jax import lax
from jax.experimental import pallas as pl
from jax.experimental.pallas import tpu as pltpu
from jax.experimental.pallas import tpu_sc as plsc

_NC = 2
_NS = 16
_NW = _NC * _NS
_L = 16
_P = 3200


def _bf_round(v):
    b = plsc.bitcast(v, jnp.int32)
    lsb = lax.shift_right_logical(b, jnp.full((_L,), 16, jnp.int32))
    lsb = lax.bitwise_and(lsb, jnp.full((_L,), 1, jnp.int32))
    b = b + lsb + jnp.full((_L,), 0x7FFF, jnp.int32)
    b = lax.bitwise_and(b, jnp.full((_L,), -65536, jnp.int32))
    return plsc.bitcast(b, jnp.float32)


def _sc_kernel(ptsT, covT, consts, n):
    nchunks = n // _P
    max_k = -(-nchunks // _NW)
    groups = _P // _L

    mesh = plsc.VectorSubcoreMesh(core_axis_name="c", subcore_axis_name="s",
                                  num_cores=_NC, num_subcores=_NS)

    @functools.partial(
        pl.kernel,
        out_type=jax.ShapeDtypeStruct((2, 2, n), jnp.float32),
        mesh=mesh,
        scratch_types=[
            pltpu.VMEM((3, _P), jnp.float32),
            pltpu.VMEM((3, _P), jnp.float32),
            pltpu.VMEM((3, 3, _P), jnp.float32),
            pltpu.VMEM((3, 3, _P), jnp.float32),
            pltpu.VMEM((2, 2, _P), jnp.float32),
            pltpu.VMEM((2, 2, _P), jnp.float32),
            pltpu.VMEM((24 * _L,), jnp.float32),
            pltpu.SemaphoreType.DMA,
            pltpu.SemaphoreType.DMA,
            pltpu.SemaphoreType.DMA,
            pltpu.SemaphoreType.DMA,
        ],
        compiler_params=pltpu.CompilerParams(needs_layout_passes=False),
    )
    def run(pts_hbm, cov_hbm, consts_hbm, out_hbm,
            pts_a, pts_b, cov_a, cov_b, out_a, out_b, c_v,
            sin_a, sin_b, sout_a, sout_b):
        wid = lax.axis_index("c") * _NS + lax.axis_index("s")
        pltpu.sync_copy(consts_hbm, c_v)

        def cvec(i):
            return c_v[pl.ds(i * _L, _L)]

        bufs = ((pts_a, cov_a, out_a, sin_a, sout_a),
                (pts_b, cov_b, out_b, sin_b, sout_b))

        def in_copy(g, pv, cv, sem):
            base = g * _P
            return (pltpu.make_async_copy(pts_hbm.at[:, pl.ds(base, _P)], pv, sem),
                    pltpu.make_async_copy(cov_hbm.at[:, :, pl.ds(base, _P)], cv, sem))

        def out_copy(g, ov, sem):
            base = g * _P
            return pltpu.make_async_copy(ov, out_hbm.at[:, :, pl.ds(base, _P)], sem)

        def compute(pv, cv, ov):
            @plsc.parallel_loop(0, groups, 1, unroll=8)
            def group(t):
                s = pl.ds(t * _L, _L)
                xb = _bf_round(pv[0, s])
                yb = _bf_round(pv[1, s])
                zb = _bf_round(pv[2, s])
                pcx = xb * cvec(0) + yb * cvec(1) + zb * cvec(2) + cvec(3)
                pcy = xb * cvec(4) + yb * cvec(5) + zb * cvec(6) + cvec(7)
                pcz = xb * cvec(8) + yb * cvec(9) + zb * cvec(10) + cvec(11)

                v00 = pcz * cvec(12) + pcx * cvec(14)
                v01 = pcz * cvec(15) + pcx * cvec(17)
                v02 = pcz * cvec(18) + pcx * cvec(20)
                v10 = pcz * cvec(13) + pcy * cvec(14)
                v11 = pcz * cvec(16) + pcy * cvec(17)
                v12 = pcz * cvec(19) + pcy * cvec(20)

                c00 = cv[0, 0, s]
                c01 = cv[0, 1, s]
                c02 = cv[0, 2, s]
                c10 = cv[1, 0, s]
                c11 = cv[1, 1, s]
                c12 = cv[1, 2, s]
                c20 = cv[2, 0, s]
                c21 = cv[2, 1, s]
                c22 = cv[2, 2, s]

                w00 = c00 * v00 + c01 * v01 + c02 * v02
                w01 = c10 * v00 + c11 * v01 + c12 * v02
                w02 = c20 * v00 + c21 * v01 + c22 * v02
                w10 = c00 * v10 + c01 * v11 + c02 * v12
                w11 = c10 * v10 + c11 * v11 + c12 * v12
                w12 = c20 * v10 + c21 * v11 + c22 * v12

                m00 = v00 * w00 + v01 * w01 + v02 * w02
                m01 = v00 * w10 + v01 * w11 + v02 * w12
                m10 = v10 * w00 + v11 * w01 + v12 * w02
                m11 = v10 * w10 + v11 * w11 + v12 * w12

                zinv = 1.0 / pcz
                zi2 = zinv * zinv
                zi4 = zi2 * zi2
                ov[0, 0, s] = m00 * (cvec(21) * zi4)
                ov[0, 1, s] = m01 * (cvec(22) * zi4)
                ov[1, 0, s] = m10 * (cvec(22) * zi4)
                ov[1, 1, s] = m11 * (cvec(23) * zi4)

        @pl.when(wid < nchunks)
        def _():
            for c in in_copy(wid, pts_a, cov_a, sin_a):
                c.start()

        def pair_step(j, carry):
            for half in (0, 1):
                pv, cv, ov, sin, sout = bufs[half]
                npv, ncv, _, nsin, _ = bufs[1 - half]
                k = j * 2 + half
                g = wid + k * _NW
                gn = g + _NW

                @pl.when(g < nchunks)
                def _():
                    for c in in_copy(g, pv, cv, sin):
                        c.wait()

                    @pl.when(gn < nchunks)
                    def _():
                        for c in in_copy(gn, npv, ncv, nsin):
                            c.start()

                gp = g - 2 * _NW

                @pl.when(jnp.logical_and(gp >= wid, gp < nchunks))
                def _():
                    out_copy(gp, ov, sout).wait()

                @pl.when(g < nchunks)
                def _():
                    compute(pv, cv, ov)
                    out_copy(g, ov, sout).start()

            return carry

        lax.fori_loop(0, (max_k + 1) // 2, pair_step, 0)

        for half in (0, 1):
            _, _, ov, _, sout = bufs[half]
            klast = ((max_k + 1) // 2) * 2 - 2 + half
            g = wid + klast * _NW

            @pl.when(g < nchunks)
            def _():
                out_copy(g, ov, sout).wait()

    return run(ptsT, covT, consts)


def kernel(points_homogeneous, covariance_3d, extrinsic_matrix,
           focal_x, focal_y, tan_fovX, tan_fovY):
    n = points_homogeneous.shape[0]
    E = extrinsic_matrix
    fx = jnp.float32(focal_x)
    fy = jnp.float32(focal_y)
    Eb = E.astype(jnp.bfloat16).astype(jnp.float32)
    cvals = jnp.concatenate([
        Eb[:, 0], Eb[:, 1], Eb[:, 2],
        E[0, :3], E[1, :3], E[2, :3],
        jnp.stack([fx * fx, fx * fy, fy * fy]),
    ]).astype(jnp.float32)
    consts = jnp.repeat(cvals, _L)

    ptsT = points_homogeneous.T[:3]
    covT = covariance_3d.transpose(1, 2, 0)
    out3 = _sc_kernel(ptsT, covT, consts, n)
    return out3.transpose(2, 0, 1)

# --- scband reference (transcript-rebuilt; emitter-appended) ---
"""Pipeline reference for scband-gaussian-scene2-66683662238115 (READ-ONLY COPY).

The authoritative reference and input builder live on the scoring server;
editing this copy changes nothing except your own understanding.
"""

import jax, jax.numpy as jnp
import numpy as np

N = 2_000_000

def setup_inputs(seed: int = 0) -> dict:
    key = jax.random.key(seed)
    k1, k2, k3 = jax.random.split(key, 3)
    # points: xy in [0,1), depth z in [1,4) to keep division well-conditioned,
    # homogeneous coordinate w = 1
    pts = jax.random.uniform(k1, (N, 4), dtype=jnp.float32)
    pts = pts.at[:, 2].set(1.0 + 3.0 * pts[:, 2])
    pts = pts.at[:, 3].set(1.0)
    cov3d = jax.random.normal(k2, (N, 3, 3), dtype=jnp.float32)
    # extrinsic: near-identity rigid transform (translation in last row,
    # per the docstring) so camera-space z stays positive
    ext = jnp.eye(4, dtype=jnp.float32) + 0.01 * jax.random.normal(k3, (4, 4), dtype=jnp.float32)
    focal_x = 1000.0
    focal_y = 1000.0
    width, height = 1920.0, 1080.0
    # fov = 2*atan(dim/(2*f))  =>  tan(fov/2) = dim/(2*f)
    tan_fovX = width / (2.0 * focal_x)
    tan_fovY = height / (2.0 * focal_y)
    return {"points_homogeneous": pts, "covariance_3d": cov3d,
            "extrinsic_matrix": ext, "focal_x": focal_x, "focal_y": focal_y,
            "tan_fovX": tan_fovX, "tan_fovY": tan_fovY}


def reference(points_homogeneous, covariance_3d, extrinsic_matrix,
              focal_x, focal_y, tan_fovX, tan_fovY):
    # Faithful translation of GaussianScene2.compute_2d_covariance
    points_camera_space = points_homogeneous @ extrinsic_matrix  # [N,4]
    z = points_camera_space[:, 2]
    x = points_camera_space[:, 0] / z
    y = points_camera_space[:, 1] / z
    # clamped x/y are computed in the original torch code but not used
    # downstream (the jacobian reads points_camera_space directly); keep
    # the computation for faithfulness.
    x = jnp.clip(x, -1.3 * tan_fovX, 1.3 * tan_fovX) * z
    y = jnp.clip(y, -1.3 * tan_fovY, 1.3 * tan_fovY) * z
    n = points_camera_space.shape[0]
    j = jnp.zeros((n, 2, 3), dtype=points_camera_space.dtype)
    j = j.at[:, 0, 0].set(focal_x / z)
    j = j.at[:, 0, 2].set(focal_x * points_camera_space[:, 0] / z ** 2)
    j = j.at[:, 1, 1].set(focal_y / z)
    j = j.at[:, 1, 2].set(focal_y * points_camera_space[:, 1] / z ** 2)
    R = extrinsic_matrix[:3, :3]
    covariance2d = j @ R.T @ covariance_3d @ R @ jnp.transpose(j, (0, 2, 1))
    return covariance2d

if __name__ == "__main__":
    import jax
    _d = setup_inputs()
    print(jax.jit(kernel)(*tuple(_d.values())))

</pallas_src>

<mosaic_0001>
#map = affine_map<(d0, d1) -> (0, 0)>
#map1 = affine_map<(d0, d1) -> (0, 0, 0)>
#map2 = affine_map<(d0, d1) -> (0)>
module attributes {stable_mosaic.version = 14 : i64} {
  func.func @run(%arg0: i32, %arg1: i32, %arg2: memref<3x2000000xf32, #tpu.memory_space<hbm>>, %arg3: memref<3x3x2000000xf32, #tpu.memory_space<hbm>>, %arg4: memref<384xf32, #tpu.memory_space<hbm>>, %arg5: memref<2x2x2000000xf32, #tpu.memory_space<hbm>>, %arg6: memref<3x3200xf32, #tpu.memory_space<vmem>>, %arg7: memref<3x3200xf32, #tpu.memory_space<vmem>>, %arg8: memref<3x3x3200xf32, #tpu.memory_space<vmem>>, %arg9: memref<3x3x3200xf32, #tpu.memory_space<vmem>>, %arg10: memref<2x2x3200xf32, #tpu.memory_space<vmem>>, %arg11: memref<2x2x3200xf32, #tpu.memory_space<vmem>>, %arg12: memref<384xf32, #tpu.memory_space<vmem>>, %arg13: memref<!tpu.dma_semaphore, #tpu.memory_space<semaphore_mem>>, %arg14: memref<!tpu.dma_semaphore, #tpu.memory_space<semaphore_mem>>, %arg15: memref<!tpu.dma_semaphore, #tpu.memory_space<semaphore_mem>>, %arg16: memref<!tpu.dma_semaphore, #tpu.memory_space<semaphore_mem>>) attributes {dimension_semantics = [#tpu.dimension_semantics<core_parallel>, #tpu.dimension_semantics<subcore_parallel>], iteration_bounds = array<i64: 2, 16>, scalar_prefetch = 0 : i64, scratch_operands = 11 : i64, tpu.core_type = #tpu.core_type<sc_vector_subcore>, window_params = [{transform_indices = #map}, {transform_indices = #map1}, {transform_indices = #map2}, {transform_indices = #map1}]} {
    %mul3A = arith.constant 16 : i32
    %mul3A_0 = arith.muli %arg0, %mul3A : i32
    %add3A = arith.addi %mul3A_0, %arg1 : i32
    "tpu.region"() ({
      %run_scoped3A = tpu.sem_alloc : memref<!tpu.dma_semaphore, #tpu.memory_space<semaphore_mem>>
      tpu.enqueue_dma source(%arg4 : memref<384xf32, #tpu.memory_space<hbm>>) target(%arg12 : memref<384xf32, #tpu.memory_space<vmem>>) target_semaphore(%run_scoped3A : memref<!tpu.dma_semaphore, #tpu.memory_space<semaphore_mem>>)
      tpu.wait_dma2 semaphore(%run_scoped3A : memref<!tpu.dma_semaphore, #tpu.memory_space<semaphore_mem>>) src(%arg4 : memref<384xf32, #tpu.memory_space<hbm>>) dst(%arg12 : memref<384xf32, #tpu.memory_space<vmem>>)
      tpu.yield
    }) : () -> ()
    %lt3A = arith.constant 625 : i32
    %lt3A_1 = arith.cmpi slt, %add3A, %lt3A : i32
    %convert_element_type3A = arith.extui %lt3A_1 : i1 to i32
    %cond3A = arith.constant 0 : i32
    %cond3A_2 = arith.cmpi ne, %convert_element_type3A, %cond3A : i32
    scf.if %cond3A_2 {
      %mul3A_22 = arith.constant 3200 : i32
      %mul3A_23 = arith.muli %add3A, %mul3A_22 : i32
      %dma_start3A = arith.constant 0 : i32
      %dma_start3A_24 = tpu.memref_slice %arg2[%dma_start3A, %mul3A_23] : memref<3x2000000xf32, #tpu.memory_space<hbm>> -> memref<3x3200xf32, #tpu.memory_space<hbm>>
      %dma_start3A_25 = arith.constant 0 : i32
      %dma_start3A_26 = tpu.memref_slice %arg2[%dma_start3A_25, %mul3A_23] : memref<3x2000000xf32, #tpu.memory_space<hbm>> -> memref<3x3200xf32, #tpu.memory_space<hbm>>
      tpu.enqueue_dma source(%dma_start3A_26 : memref<3x3200xf32, #tpu.memory_space<hbm>>) target(%arg6 : memref<3x3200xf32, #tpu.memory_space<vmem>>) target_semaphore(%arg13 : memref<!tpu.dma_semaphore, #tpu.memory_space<semaphore_mem>>)
      %dma_start3A_27 = arith.constant 0 : i32
      %dma_start3A_28 = arith.constant 0 : i32
      %dma_start3A_29 = tpu.memref_slice %arg3[%dma_start3A_27, %dma_start3A_28, %mul3A_23] : memref<3x3x2000000xf32, #tpu.memory_space<hbm>> -> memref<3x3x3200xf32, #tpu.memory_space<hbm>>
      %dma_start3A_30 = arith.constant 0 : i32
      %dma_start3A_31 = arith.constant 0 : i32
      %dma_start3A_32 = tpu.memref_slice %arg3[%dma_start3A_30, %dma_start3A_31, %mul3A_23] : memref<3x3x2000000xf32, #tpu.memory_space<hbm>> -> memref<3x3x3200xf32, #tpu.memory_space<hbm>>
      tpu.enqueue_dma source(%dma_start3A_32 : memref<3x3x3200xf32, #tpu.memory_space<hbm>>) target(%arg8 : memref<3x3x3200xf32, #tpu.memory_space<vmem>>) target_semaphore(%arg13 : memref<!tpu.dma_semaphore, #tpu.memory_space<semaphore_mem>>)
    } else {
    }
    %scan3A = arith.constant 0 : i32
    %scan3A_3 = arith.constant 0 : i32
    %scan3A_4 = arith.constant 10 : i32
    %scan3A_5 = arith.addi %scan3A_3, %scan3A_4 : i32
    %scan3A_6 = arith.constant 1 : i32
    scf.for %scan3A_22 = %scan3A_3 to %scan3A_5 step %scan3A_6  : i32 {
      %mul3A_23 = arith.constant 2 : i32
      %mul3A_24 = arith.muli %scan3A_22, %mul3A_23 : i32
      %add3A_25 = arith.constant 0 : i32
      %add3A_26 = arith.addi %mul3A_24, %add3A_25 : i32
      %mul3A_27 = arith.constant 32 : i32
      %mul3A_28 = arith.muli %add3A_26, %mul3A_27 : i32
      %add3A_29 = arith.addi %add3A, %mul3A_28 : i32
      %add3A_30 = arith.constant 32 : i32
      %add3A_31 = arith.addi %add3A_29, %add3A_30 : i32
      %lt3A_32 = arith.constant 625 : i32
      %lt3A_33 = arith.cmpi slt, %add3A_29, %lt3A_32 : i32
      %convert_element_type3A_34 = arith.extui %lt3A_33 : i1 to i32
      %cond3A_35 = arith.constant 0 : i32
      %cond3A_36 = arith.cmpi ne, %convert_element_type3A_34, %cond3A_35 : i32
      scf.if %cond3A_36 {
        %mul3A_76 = arith.constant 3200 : i32
        %mul3A_77 = arith.muli %add3A_29, %mul3A_76 : i32
        %dma_wait3A = arith.constant 0 : i32
        %dma_wait3A_78 = tpu.memref_slice %arg2[%dma_wait3A, %mul3A_77] : memref<3x2000000xf32, #tpu.memory_space<hbm>> -> memref<3x3200xf32, #tpu.memory_space<hbm>>
        %dma_wait3A_79 = arith.constant 0 : i32
        %dma_wait3A_80 = tpu.memref_slice %arg2[%dma_wait3A_79, %mul3A_77] : memref<3x2000000xf32, #tpu.memory_space<hbm>> -> memref<3x3200xf32, #tpu.memory_space<hbm>>
        tpu.wait_dma2 semaphore(%arg13 : memref<!tpu.dma_semaphore, #tpu.memory_space<semaphore_mem>>) src(%dma_wait3A_80 : memref<3x3200xf32, #tpu.memory_space<hbm>>) dst(%arg6 : memref<3x3200xf32, #tpu.memory_space<vmem>>)
        %dma_wait3A_81 = arith.constant 0 : i32
        %dma_wait3A_82 = arith.constant 0 : i32
        %dma_wait3A_83 = tpu.memref_slice %arg3[%dma_wait3A_81, %dma_wait3A_82, %mul3A_77] : memref<3x3x2000000xf32, #tpu.memory_space<hbm>> -> memref<3x3x3200xf32, #tpu.memory_space<hbm>>
        %dma_wait3A_84 = arith.constant 0 : i32
        %dma_wait3A_85 = arith.constant 0 : i32
        %dma_wait3A_86 = tpu.memref_slice %arg3[%dma_wait3A_84, %dma_wait3A_85, %mul3A_77] : memref<3x3x2000000xf32, #tpu.memory_space<hbm>> -> memref<3x3x3200xf32, #tpu.memory_space<hbm>>
        tpu.wait_dma2 semaphore(%arg13 : memref<!tpu.dma_semaphore, #tpu.memory_space<semaphore_mem>>) src(%dma_wait3A_86 : memref<3x3x3200xf32, #tpu.memory_space<hbm>>) dst(%arg8 : memref<3x3x3200xf32, #tpu.memory_space<vmem>>)
        %lt3A_87 = arith.constant 625 : i32
        %lt3A_88 = arith.cmpi slt, %add3A_31, %lt3A_87 : i32
        %convert_element_type3A_89 = arith.extui %lt3A_88 : i1 to i32
        %cond3A_90 = arith.constant 0 : i32
        %cond3A_91 = arith.cmpi ne, %convert_element_type3A_89, %cond3A_90 : i32
        scf.if %cond3A_91 {
          %mul3A_92 = arith.constant 3200 : i32
          %mul3A_93 = arith.muli %add3A_31, %mul3A_92 : i32
          %dma_start3A = arith.constant 0 : i32
          %dma_start3A_94 = tpu.memref_slice %arg2[%dma_start3A, %mul3A_93] : memref<3x2000000xf32, #tpu.memory_space<hbm>> -> memref<3x3200xf32, #tpu.memory_space<hbm>>
          %dma_start3A_95 = arith.constant 0 : i32
          %dma_start3A_96 = tpu.memref_slice %arg2[%dma_start3A_95, %mul3A_93] : memref<3x2000000xf32, #tpu.memory_space<hbm>> -> memref<3x3200xf32, #tpu.memory_space<hbm>>
          tpu.enqueue_dma source(%dma_start3A_96 : memref<3x3200xf32, #tpu.memory_space<hbm>>) target(%arg7 : memref<3x3200xf32, #tpu.memory_space<vmem>>) target_semaphore(%arg14 : memref<!tpu.dma_semaphore, #tpu.memory_space<semaphore_mem>>)
          %dma_start3A_97 = arith.constant 0 : i32
          %dma_start3A_98 = arith.constant 0 : i32
          %dma_start3A_99 = tpu.memref_slice %arg3[%dma_start3A_97, %dma_start3A_98, %mul3A_93] : memref<3x3x2000000xf32, #tpu.memory_space<hbm>> -> memref<3x3x3200xf32, #tpu.memory_space<hbm>>
          %dma_start3A_100 = arith.constant 0 : i32
          %dma_start3A_101 = arith.constant 0 : i32
          %dma_start3A_102 = tpu.memref_slice %arg3[%dma_start3A_100, %dma_start3A_101, %mul3A_93] : memref<3x3x2000000xf32, #tpu.memory_space<hbm>> -> memref<3x3x3200xf32, #tpu.memory_space<hbm>>
          tpu.enqueue_dma source(%dma_start3A_102 : memref<3x3x3200xf32, #tpu.memory_space<hbm>>) target(%arg9 : memref<3x3x3200xf32, #tpu.memory_space<vmem>>) target_semaphore(%arg14 : memref<!tpu.dma_semaphore, #tpu.memory_space<semaphore_mem>>)
        } else {
        }
      } else {
      }
      %sub3A = arith.constant 64 : i32
      %sub3A_37 = arith.subi %add3A_29, %sub3A : i32
      %ge3A = arith.cmpi sge, %sub3A_37, %add3A : i32
      %lt3A_38 = arith.constant 625 : i32
      %lt3A_39 = arith.cmpi slt, %sub3A_37, %lt3A_38 : i32
      %and3A = arith.andi %ge3A, %lt3A_39 : i1
      %convert_element_type3A_40 = arith.extui %and3A : i1 to i32
      %cond3A_41 = arith.constant 0 : i32
      %cond3A_42 = arith.cmpi ne, %convert_element_type3A_40, %cond3A_41 : i32
      scf.if %cond3A_42 {
        %mul3A_76 = arith.constant 3200 : i32
        %mul3A_77 = arith.muli %sub3A_37, %mul3A_76 : i32
        %dma_wait3A = arith.constant 0 : i32
        %dma_wait3A_78 = arith.constant 0 : i32
        %dma_wait3A_79 = tpu.memref_slice %arg5[%dma_wait3A, %dma_wait3A_78, %mul3A_77] : memref<2x2x2000000xf32, #tpu.memory_space<hbm>> -> memref<2x2x3200xf32, #tpu.memory_space<hbm>>
        %dma_wait3A_80 = arith.constant 0 : i32
        %dma_wait3A_81 = arith.constant 0 : i32
        %dma_wait3A_82 = tpu.memref_slice %arg5[%dma_wait3A_80, %dma_wait3A_81, %mul3A_77] : memref<2x2x2000000xf32, #tpu.memory_space<hbm>> -> memref<2x2x3200xf32, #tpu.memory_space<hbm>>
        tpu.wait_dma2 semaphore(%arg15 : memref<!tpu.dma_semaphore, #tpu.memory_space<semaphore_mem>>) src(%arg10 : memref<2x2x3200xf32, #tpu.memory_space<vmem>>) dst(%dma_wait3A_82 : memref<2x2x3200xf32, #tpu.memory_space<hbm>>)
      } else {
      }
      %lt3A_43 = arith.constant 625 : i32
      %lt3A_44 = arith.cmpi slt, %add3A_29, %lt3A_43 : i32
      %convert_element_type3A_45 = arith.extui %lt3A_44 : i1 to i32
      %cond3A_46 = arith.constant 0 : i32
      %cond3A_47 = arith.cmpi ne, %convert_element_type3A_45, %cond3A_46 : i32
      scf.if %cond3A_47 {
        %parallel_loop3A = arith.constant 0 : i32
        %parallel_loop3A_76 = arith.constant 200 : i32
        %parallel_loop3A_77 = arith.constant 1 : i32
        scf.for %parallel_loop3A_85 = %parallel_loop3A to %parallel_loop3A_76 step %parallel_loop3A_77  : i32 {
          %parallel_loop3A_86 = arith.constant 16 : i32
          %parallel_loop3A_87 = arith.muli %parallel_loop3A_85, %parallel_loop3A_86 : i32
          %parallel_loop3A_88 = arith.constant 0 : i32
          %parallel_loop3A_89 = arith.index_cast %parallel_loop3A_88 : i32 to index
          %parallel_loop3A_90 = arith.index_cast %parallel_loop3A_87 : i32 to index
          %parallel_loop3A_91 = tpu.vector_load %arg6[%parallel_loop3A_89, %parallel_loop3A_90] {strides = array<i32>} : memref<3x3200xf32, #tpu.memory_space<vmem>>, vector<16xf32>,
          %parallel_loop3A_92 = vector.bitcast %parallel_loop3A_91 : vector<16xf32> to vector<16xi32>
          %parallel_loop3A_93 = arith.constant 16 : i32
          %parallel_loop3A_94 = vector.broadcast %parallel_loop3A_93 : i32 to vector<16xi32>
          %parallel_loop3A_95 = arith.shrui %parallel_loop3A_92, %parallel_loop3A_94 : vector<16xi32>
          %parallel_loop3A_96 = arith.constant 1 : i32
          %parallel_loop3A_97 = vector.broadcast %parallel_loop3A_96 : i32 to vector<16xi32>
          %parallel_loop3A_98 = arith.andi %parallel_loop3A_95, %parallel_loop3A_97 : vector<16xi32>
          %parallel_loop3A_99 = arith.addi %parallel_loop3A_92, %parallel_loop3A_98 : vector<16xi32>
          %parallel_loop3A_100 = arith.constant 32767 : i32
          %parallel_loop3A_101 = vector.broadcast %parallel_loop3A_100 : i32 to vector<16xi32>
          %parallel_loop3A_102 = arith.addi %parallel_loop3A_99, %parallel_loop3A_101 : vector<16xi32>
          %parallel_loop3A_103 = arith.constant -65536 : i32
          %parallel_loop3A_104 = vector.broadcast %parallel_loop3A_103 : i32 to vector<16xi32>
          %parallel_loop3A_105 = arith.andi %parallel_loop3A_102, %parallel_loop3A_104 : vector<16xi32>
          %parallel_loop3A_106 = vector.bitcast %parallel_loop3A_105 : vector<16xi32> to vector<16xf32>
          %parallel_loop3A_107 = arith.constant 1 : i32
          %parallel_loop3A_108 = arith.index_cast %parallel_loop3A_107 : i32 to index
          %parallel_loop3A_109 = arith.index_cast %parallel_loop3A_87 : i32 to index
          %parallel_loop3A_110 = tpu.vector_load %arg6[%parallel_loop3A_108, %parallel_loop3A_109] {strides = array<i32>} : memref<3x3200xf32, #tpu.memory_space<vmem>>, vector<16xf32>,
          %parallel_loop3A_111 = vector.bitcast %parallel_loop3A_110 : vector<16xf32> to vector<16xi32>
          %parallel_loop3A_112 = arith.constant 16 : i32
          %parallel_loop3A_113 = vector.broadcast %parallel_loop3A_112 : i32 to vector<16xi32>
          %parallel_loop3A_114 = arith.shrui %parallel_loop3A_111, %parallel_loop3A_113 : vector<16xi32>
          %parallel_loop3A_115 = arith.constant 1 : i32
          %parallel_loop3A_116 = vector.broadcast %parallel_loop3A_115 : i32 to vector<16xi32>
          %parallel_loop3A_117 = arith.andi %parallel_loop3A_114, %parallel_loop3A_116 : vector<16xi32>
          %parallel_loop3A_118 = arith.addi %parallel_loop3A_111, %parallel_loop3A_117 : vector<16xi32>
          %parallel_loop3A_119 = arith.constant 32767 : i32
          %parallel_loop3A_120 = vector.broadcast %parallel_loop3A_119 : i32 to vector<16xi32>
          %parallel_loop3A_121 = arith.addi %parallel_loop3A_118, %parallel_loop3A_120 : vector<16xi32>
          %parallel_loop3A_122 = arith.constant -65536 : i32
          %parallel_loop3A_123 = vector.broadcast %parallel_loop3A_122 : i32 to vector<16xi32>
          %parallel_loop3A_124 = arith.andi %parallel_loop3A_121, %parallel_loop3A_123 : vector<16xi32>
          %parallel_loop3A_125 = vector.bitcast %parallel_loop3A_124 : vector<16xi32> to vector<16xf32>
          %parallel_loop3A_126 = arith.constant 2 : i32
          %parallel_loop3A_127 = arith.index_cast %parallel_loop3A_126 : i32 to index
          %parallel_loop3A_128 = arith.index_cast %parallel_loop3A_87 : i32 to index
          %parallel_loop3A_129 = tpu.vector_load %arg6[%parallel_loop3A_127, %parallel_loop3A_128] {strides = array<i32>} : memref<3x3200xf32, #tpu.memory_space<vmem>>, vector<16xf32>,
          %parallel_loop3A_130 = vector.bitcast %parallel_loop3A_129 : vector<16xf32> to vector<16xi32>
          %parallel_loop3A_131 = arith.constant 16 : i32
          %parallel_loop3A_132 = vector.broadcast %parallel_loop3A_131 : i32 to vector<16xi32>
          %parallel_loop3A_133 = arith.shrui %parallel_loop3A_130, %parallel_loop3A_132 : vector<16xi32>
          %parallel_loop3A_134 = arith.constant 1 : i32
          %parallel_loop3A_135 = vector.broadcast %parallel_loop3A_134 : i32 to vector<16xi32>
          %parallel_loop3A_136 = arith.andi %parallel_loop3A_133, %parallel_loop3A_135 : vector<16xi32>
          %parallel_loop3A_137 = arith.addi %parallel_loop3A_130, %parallel_loop3A_136 : vector<16xi32>
          %parallel_loop3A_138 = arith.constant 32767 : i32
          %parallel_loop3A_139 = vector.broadcast %parallel_loop3A_138 : i32 to vector<16xi32>
          %parallel_loop3A_140 = arith.addi %parallel_loop3A_137, %parallel_loop3A_139 : vector<16xi32>
          %parallel_loop3A_141 = arith.constant -65536 : i32
          %parallel_loop3A_142 = vector.broadcast %parallel_loop3A_141 : i32 to vector<16xi32>
          %parallel_loop3A_143 = arith.andi %parallel_loop3A_140, %parallel_loop3A_142 : vector<16xi32>
          %parallel_loop3A_144 = vector.bitcast %parallel_loop3A_143 : vector<16xi32> to vector<16xf32>
          %parallel_loop3A_145 = arith.constant 0 : index
          %parallel_loop3A_146 = tpu.vector_load %arg12[%parallel_loop3A_145] {strides = array<i32>} : memref<384xf32, #tpu.memory_space<vmem>>, vector<16xf32>,
          %parallel_loop3A_147 = arith.mulf %parallel_loop3A_106, %parallel_loop3A_146 : vector<16xf32>
          %parallel_loop3A_148 = arith.constant 16 : index
          %parallel_loop3A_149 = tpu.vector_load %arg12[%parallel_loop3A_148] {strides = array<i32>} : memref<384xf32, #tpu.memory_space<vmem>>, vector<16xf32>,
          %parallel_loop3A_150 = arith.mulf %parallel_loop3A_125, %parallel_loop3A_149 : vector<16xf32>
          %parallel_loop3A_151 = arith.addf %parallel_loop3A_147, %parallel_loop3A_150 : vector<16xf32>
          %parallel_loop3A_152 = arith.constant 32 : index
          %parallel_loop3A_153 = tpu.vector_load %arg12[%parallel_loop3A_152] {strides = array<i32>} : memref<384xf32, #tpu.memory_space<vmem>>, vector<16xf32>,
          %parallel_loop3A_154 = arith.mulf %parallel_loop3A_144, %parallel_loop3A_153 : vector<16xf32>
          %parallel_loop3A_155 = arith.addf %parallel_loop3A_151, %parallel_loop3A_154 : vector<16xf32>
          %parallel_loop3A_156 = arith.constant 48 : index
          %parallel_loop3A_157 = tpu.vector_load %arg12[%parallel_loop3A_156] {strides = array<i32>} : memref<384xf32, #tpu.memory_space<vmem>>, vector<16xf32>,
          %parallel_loop3A_158 = arith.addf %parallel_loop3A_155, %parallel_loop3A_157 : vector<16xf32>
          %parallel_loop3A_159 = arith.constant 64 : index
          %parallel_loop3A_160 = tpu.vector_load %arg12[%parallel_loop3A_159] {strides = array<i32>} : memref<384xf32, #tpu.memory_space<vmem>>, vector<16xf32>,
          %parallel_loop3A_161 = arith.mulf %parallel_loop3A_106, %parallel_loop3A_160 : vector<16xf32>
          %parallel_loop3A_162 = arith.constant 80 : index
          %parallel_loop3A_163 = tpu.vector_load %arg12[%parallel_loop3A_162] {strides = array<i32>} : memref<384xf32, #tpu.memory_space<vmem>>, vector<16xf32>,
          %parallel_loop3A_164 = arith.mulf %parallel_loop3A_125, %parallel_loop3A_163 : vector<16xf32>
          %parallel_loop3A_165 = arith.addf %parallel_loop3A_161, %parallel_loop3A_164 : vector<16xf32>
          %parallel_loop3A_166 = arith.constant 96 : index
          %parallel_loop3A_167 = tpu.vector_load %arg12[%parallel_loop3A_166] {strides = array<i32>} : memref<384xf32, #tpu.memory_space<vmem>>, vector<16xf32>,
          %parallel_loop3A_168 = arith.mulf %parallel_loop3A_144, %parallel_loop3A_167 : vector<16xf32>
          %parallel_loop3A_169 = arith.addf %parallel_loop3A_165, %parallel_loop3A_168 : vector<16xf32>
          %parallel_loop3A_170 = arith.constant 112 : index
          %parallel_loop3A_171 = tpu.vector_load %arg12[%parallel_loop3A_170] {strides = array<i32>} : memref<384xf32, #tpu.memory_space<vmem>>, vector<16xf32>,
          %parallel_loop3A_172 = arith.addf %parallel_loop3A_169, %parallel_loop3A_171 : vector<16xf32>
          %parallel_loop3A_173 = arith.constant 128 : index
          %parallel_loop3A_174 = tpu.vector_load %arg12[%parallel_loop3A_173] {strides = array<i32>} : memref<384xf32, #tpu.memory_space<vmem>>, vector<16xf32>,
          %parallel_loop3A_175 = arith.mulf %parallel_loop3A_106, %parallel_loop3A_174 : vector<16xf32>
          %parallel_loop3A_176 = arith.constant 144 : index
          %parallel_loop3A_177 = tpu.vector_load %arg12[%parallel_loop3A_176] {strides = array<i32>} : memref<384xf32, #tpu.memory_space<vmem>>, vector<16xf32>,
          %parallel_loop3A_178 = arith.mulf %parallel_loop3A_125, %parallel_loop3A_177 : vector<16xf32>
          %parallel_loop3A_179 = arith.addf %parallel_loop3A_175, %parallel_loop3A_178 : vector<16xf32>
          %parallel_loop3A_180 = arith.constant 160 : index
          %parallel_loop3A_181 = tpu.vector_load %arg12[%parallel_loop3A_180] {strides = array<i32>} : memref<384xf32, #tpu.memory_space<vmem>>, vector<16xf32>,
          %parallel_loop3A_182 = arith.mulf %parallel_loop3A_144, %parallel_loop3A_181 : vector<16xf32>
          %parallel_loop3A_183 = arith.addf %parallel_loop3A_179, %parallel_loop3A_182 : vector<16xf32>
          %parallel_loop3A_184 = arith.constant 176 : index
          %parallel_loop3A_185 = tpu.vector_load %arg12[%parallel_loop3A_184] {strides = array<i32>} : memref<384xf32, #tpu.memory_space<vmem>>, vector<16xf32>,
          %parallel_loop3A_186 = arith.addf %parallel_loop3A_183, %parallel_loop3A_185 : vector<16xf32>
          %parallel_loop3A_187 = arith.constant 192 : index
          %parallel_loop3A_188 = tpu.vector_load %arg12[%parallel_loop3A_187] {strides = array<i32>} : memref<384xf32, #tpu.memory_space<vmem>>, vector<16xf32>,
          %parallel_loop3A_189 = arith.mulf %parallel_loop3A_186, %parallel_loop3A_188 : vector<16xf32>
          %parallel_loop3A_190 = arith.constant 224 : index
          %parallel_loop3A_191 = tpu.vector_load %arg12[%parallel_loop3A_190] {strides = array<i32>} : memref<384xf32, #tpu.memory_space<vmem>>, vector<16xf32>,
          %parallel_loop3A_192 = arith.mulf %parallel_loop3A_158, %parallel_loop3A_191 : vector<16xf32>
          %parallel_loop3A_193 = arith.addf %parallel_loop3A_189, %parallel_loop3A_192 : vector<16xf32>
          %parallel_loop3A_194 = arith.constant 240 : index
          %parallel_loop3A_195 = tpu.vector_load %arg12[%parallel_loop3A_194] {strides = array<i32>} : memref<384xf32, #tpu.memory_space<vmem>>, vector<16xf32>,
          %parallel_loop3A_196 = arith.mulf %parallel_loop3A_186, %parallel_loop3A_195 : vector<16xf32>
          %parallel_loop3A_197 = arith.constant 272 : index
          %parallel_loop3A_198 = tpu.vector_load %arg12[%parallel_loop3A_197] {strides = array<i32>} : memref<384xf32, #tpu.memory_space<vmem>>, vector<16xf32>,
          %parallel_loop3A_199 = arith.mulf %parallel_loop3A_158, %parallel_loop3A_198 : vector<16xf32>
          %parallel_loop3A_200 = arith.addf %parallel_loop3A_196, %parallel_loop3A_199 : vector<16xf32>
          %parallel_loop3A_201 = arith.constant 288 : index
          %parallel_loop3A_202 = tpu.vector_load %arg12[%parallel_loop3A_201] {strides = array<i32>} : memref<384xf32, #tpu.memory_space<vmem>>, vector<16xf32>,
          %parallel_loop3A_203 = arith.mulf %parallel_loop3A_186, %parallel_loop3A_202 : vector<16xf32>
          %parallel_loop3A_204 = arith.constant 320 : index
          %parallel_loop3A_205 = tpu.vector_load %arg12[%parallel_loop3A_204] {strides = array<i32>} : memref<384xf32, #tpu.memory_space<vmem>>, vector<16xf32>,
          %parallel_loop3A_206 = arith.mulf %parallel_loop3A_158, %parallel_loop3A_205 : vector<16xf32>
          %parallel_loop3A_207 = arith.addf %parallel_loop3A_203, %parallel_loop3A_206 : vector<16xf32>
          %parallel_loop3A_208 = arith.constant 208 : index
          %parallel_loop3A_209 = tpu.vector_load %arg12[%parallel_loop3A_208] {strides = array<i32>} : memref<384xf32, #tpu.memory_space<vmem>>, vector<16xf32>,
          %parallel_loop3A_210 = arith.mulf %parallel_loop3A_186, %parallel_loop3A_209 : vector<16xf32>
          %parallel_loop3A_211 = arith.constant 224 : index
          %parallel_loop3A_212 = tpu.vector_load %arg12[%parallel_loop3A_211] {strides = array<i32>} : memref<384xf32, #tpu.memory_space<vmem>>, vector<16xf32>,
          %parallel_loop3A_213 = arith.mulf %parallel_loop3A_172, %parallel_loop3A_212 : vector<16xf32>
          %parallel_loop3A_214 = arith.addf %parallel_loop3A_210, %parallel_loop3A_213 : vector<16xf32>
          %parallel_loop3A_215 = arith.constant 256 : index
          %parallel_loop3A_216 = tpu.vector_load %arg12[%parallel_loop3A_215] {strides = array<i32>} : memref<384xf32, #tpu.memory_space<vmem>>, vector<16xf32>,
          %parallel_loop3A_217 = arith.mulf %parallel_loop3A_186, %parallel_loop3A_216 : vector<16xf32>
          %parallel_loop3A_218 = arith.constant 272 : index
          %parallel_loop3A_219 = tpu.vector_load %arg12[%parallel_loop3A_218] {strides = array<i32>} : memref<384xf32, #tpu.memory_space<vmem>>, vector<16xf32>,
          %parallel_loop3A_220 = arith.mulf %parallel_loop3A_172, %parallel_loop3A_219 : vector<16xf32>
          %parallel_loop3A_221 = arith.addf %parallel_loop3A_217, %parallel_loop3A_220 : vector<16xf32>
          %parallel_loop3A_222 = arith.constant 304 : index
          %parallel_loop3A_223 = tpu.vector_load %arg12[%parallel_loop3A_222] {strides = array<i32>} : memref<384xf32, #tpu.memory_space<vmem>>, vector<16xf32>,
          %parallel_loop3A_224 = arith.mulf %parallel_loop3A_186, %parallel_loop3A_223 : vector<16xf32>
          %parallel_loop3A_225 = arith.constant 320 : index
          %parallel_loop3A_226 = tpu.vector_load %arg12[%parallel_loop3A_225] {strides = array<i32>} : memref<384xf32, #tpu.memory_space<vmem>>, vector<16xf32>,
          %parallel_loop3A_227 = arith.mulf %parallel_loop3A_172, %parallel_loop3A_226 : vector<16xf32>
          %parallel_loop3A_228 = arith.addf %parallel_loop3A_224, %parallel_loop3A_227 : vector<16xf32>
          %parallel_loop3A_229 = arith.constant 0 : i32
          %parallel_loop3A_230 = arith.constant 0 : i32
          %parallel_loop3A_231 = arith.index_cast %parallel_loop3A_229 : i32 to index
          %parallel_loop3A_232 = arith.index_cast %parallel_loop3A_230 : i32 to index
          %parallel_loop3A_233 = arith.index_cast %parallel_loop3A_87 : i32 to index
          %parallel_loop3A_234 = tpu.vector_load %arg8[%parallel_loop3A_231, %parallel_loop3A_232, %parallel_loop3A_233] {strides = array<i32>} : memref<3x3x3200xf32, #tpu.memory_space<vmem>>, vector<16xf32>,
          %parallel_loop3A_235 = arith.constant 0 : i32
          %parallel_loop3A_236 = arith.constant 1 : i32
          %parallel_loop3A_237 = arith.index_cast %parallel_loop3A_235 : i32 to index
          %parallel_loop3A_238 = arith.index_cast %parallel_loop3A_236 : i32 to index
          %parallel_loop3A_239 = arith.index_cast %parallel_loop3A_87 : i32 to index
          %parallel_loop3A_240 = tpu.vector_load %arg8[%parallel_loop3A_237, %parallel_loop3A_238, %parallel_loop3A_239] {strides = array<i32>} : memref<3x3x3200xf32, #tpu.memory_space<vmem>>, vector<16xf32>,
          %parallel_loop3A_241 = arith.constant 0 : i32
          %parallel_loop3A_242 = arith.constant 2 : i32
          %parallel_loop3A_243 = arith.index_cast %parallel_loop3A_241 : i32 to index
          %parallel_loop3A_244 = arith.index_cast %parallel_loop3A_242 : i32 to index
          %parallel_loop3A_245 = arith.index_cast %parallel_loop3A_87 : i32 to index
          %parallel_loop3A_246 = tpu.vector_load %arg8[%parallel_loop3A_243, %parallel_loop3A_244, %parallel_loop3A_245] {strides = array<i32>} : memref<3x3x3200xf32, #tpu.memory_space<vmem>>, vector<16xf32>,
          %parallel_loop3A_247 = arith.constant 1 : i32
          %parallel_loop3A_248 = arith.constant 0 : i32
          %parallel_loop3A_249 = arith.index_cast %parallel_loop3A_247 : i32 to index
          %parallel_loop3A_250 = arith.index_cast %parallel_loop3A_248 : i32 to index
          %parallel_loop3A_251 = arith.index_cast %parallel_loop3A_87 : i32 to index
          %parallel_loop3A_252 = tpu.vector_load %arg8[%parallel_loop3A_249, %parallel_loop3A_250, %parallel_loop3A_251] {strides = array<i32>} : memref<3x3x3200xf32, #tpu.memory_space<vmem>>, vector<16xf32>,
          %parallel_loop3A_253 = arith.constant 1 : i32
          %parallel_loop3A_254 = arith.constant 1 : i32
          %parallel_loop3A_255 = arith.index_cast %parallel_loop3A_253 : i32 to index
          %parallel_loop3A_256 = arith.index_cast %parallel_loop3A_254 : i32 to index
          %parallel_loop3A_257 = arith.index_cast %parallel_loop3A_87 : i32 to index
          %parallel_loop3A_258 = tpu.vector_load %arg8[%parallel_loop3A_255, %parallel_loop3A_256, %parallel_loop3A_257] {strides = array<i32>} : memref<3x3x3200xf32, #tpu.memory_space<vmem>>, vector<16xf32>,
          %parallel_loop3A_259 = arith.constant 1 : i32
          %parallel_loop3A_260 = arith.constant 2 : i32
          %parallel_loop3A_261 = arith.index_cast %parallel_loop3A_259 : i32 to index
          %parallel_loop3A_262 = arith.index_cast %parallel_loop3A_260 : i32 to index
          %parallel_loop3A_263 = arith.index_cast %parallel_loop3A_87 : i32 to index
          %parallel_loop3A_264 = tpu.vector_load %arg8[%parallel_loop3A_261, %parallel_loop3A_262, %parallel_loop3A_263] {strides = array<i32>} : memref<3x3x3200xf32, #tpu.memory_space<vmem>>, vector<16xf32>,
          %parallel_loop3A_265 = arith.constant 2 : i32
          %parallel_loop3A_266 = arith.constant 0 : i32
          %parallel_loop3A_267 = arith.index_cast %parallel_loop3A_265 : i32 to index
          %parallel_loop3A_268 = arith.index_cast %parallel_loop3A_266 : i32 to index
          %parallel_loop3A_269 = arith.index_cast %parallel_loop3A_87 : i32 to index
          %parallel_loop3A_270 = tpu.vector_load %arg8[%parallel_loop3A_267, %parallel_loop3A_268, %parallel_loop3A_269] {strides = array<i32>} : memref<3x3x3200xf32, #tpu.memory_space<vmem>>, vector<16xf32>,
          %parallel_loop3A_271 = arith.constant 2 : i32
          %parallel_loop3A_272 = arith.constant 1 : i32
          %parallel_loop3A_273 = arith.index_cast %parallel_loop3A_271 : i32 to index
          %parallel_loop3A_274 = arith.index_cast %parallel_loop3A_272 : i32 to index
          %parallel_loop3A_275 = arith.index_cast %parallel_loop3A_87 : i32 to index
          %parallel_loop3A_276 = tpu.vector_load %arg8[%parallel_loop3A_273, %parallel_loop3A_274, %parallel_loop3A_275] {strides = array<i32>} : memref<3x3x3200xf32, #tpu.memory_space<vmem>>, vector<16xf32>,
          %parallel_loop3A_277 = arith.constant 2 : i32
          %parallel_loop3A_278 = arith.constant 2 : i32
          %parallel_loop3A_279 = arith.index_cast %parallel_loop3A_277 : i32 to index
          %parallel_loop3A_280 = arith.index_cast %parallel_loop3A_278 : i32 to index
          %parallel_loop3A_281 = arith.index_cast %parallel_loop3A_87 : i32 to index
          %parallel_loop3A_282 = tpu.vector_load %arg8[%parallel_loop3A_279, %parallel_loop3A_280, %parallel_loop3A_281] {strides = array<i32>} : memref<3x3x3200xf32, #tpu.memory_space<vmem>>, vector<16xf32>,
          %parallel_loop3A_283 = arith.mulf %parallel_loop3A_234, %parallel_loop3A_193 : vector<16xf32>
          %parallel_loop3A_284 = arith.mulf %parallel_loop3A_240, %parallel_loop3A_200 : vector<16xf32>
          %parallel_loop3A_285 = arith.addf %parallel_loop3A_283, %parallel_loop3A_284 : vector<16xf32>
          %parallel_loop3A_286 = arith.mulf %parallel_loop3A_246, %parallel_loop3A_207 : vector<16xf32>
          %parallel_loop3A_287 = arith.addf %parallel_loop3A_285, %parallel_loop3A_286 : vector<16xf32>
          %parallel_loop3A_288 = arith.mulf %parallel_loop3A_252, %parallel_loop3A_193 : vector<16xf32>
          %parallel_loop3A_289 = arith.mulf %parallel_loop3A_258, %parallel_loop3A_200 : vector<16xf32>
          %parallel_loop3A_290 = arith.addf %parallel_loop3A_288, %parallel_loop3A_289 : vector<16xf32>
          %parallel_loop3A_291 = arith.mulf %parallel_loop3A_264, %parallel_loop3A_207 : vector<16xf32>
          %parallel_loop3A_292 = arith.addf %parallel_loop3A_290, %parallel_loop3A_291 : vector<16xf32>
          %parallel_loop3A_293 = arith.mulf %parallel_loop3A_270, %parallel_loop3A_193 : vector<16xf32>
          %parallel_loop3A_294 = arith.mulf %parallel_loop3A_276, %parallel_loop3A_200 : vector<16xf32>
          %parallel_loop3A_295 = arith.addf %parallel_loop3A_293, %parallel_loop3A_294 : vector<16xf32>
          %parallel_loop3A_296 = arith.mulf %parallel_loop3A_282, %parallel_loop3A_207 : vector<16xf32>
          %parallel_loop3A_297 = arith.addf %parallel_loop3A_295, %parallel_loop3A_296 : vector<16xf32>
          %parallel_loop3A_298 = arith.mulf %parallel_loop3A_234, %parallel_loop3A_214 : vector<16xf32>
          %parallel_loop3A_299 = arith.mulf %parallel_loop3A_240, %parallel_loop3A_221 : vector<16xf32>
          %parallel_loop3A_300 = arith.addf %parallel_loop3A_298, %parallel_loop3A_299 : vector<16xf32>
          %parallel_loop3A_301 = arith.mulf %parallel_loop3A_246, %parallel_loop3A_228 : vector<16xf32>
          %parallel_loop3A_302 = arith.addf %parallel_loop3A_300, %parallel_loop3A_301 : vector<16xf32>
          %parallel_loop3A_303 = arith.mulf %parallel_loop3A_252, %parallel_loop3A_214 : vector<16xf32>
          %parallel_loop3A_304 = arith.mulf %parallel_loop3A_258, %parallel_loop3A_221 : vector<16xf32>
          %parallel_loop3A_305 = arith.addf %parallel_loop3A_303, %parallel_loop3A_304 : vector<16xf32>
          %parallel_loop3A_306 = arith.mulf %parallel_loop3A_264, %parallel_loop3A_228 : vector<16xf32>
          %parallel_loop3A_307 = arith.addf %parallel_loop3A_305, %parallel_loop3A_306 : vector<16xf32>
          %parallel_loop3A_308 = arith.mulf %parallel_loop3A_270, %parallel_loop3A_214 : vector<16xf32>
          %parallel_loop3A_309 = arith.mulf %parallel_loop3A_276, %parallel_loop3A_221 : vector<16xf32>
          %parallel_loop3A_310 = arith.addf %parallel_loop3A_308, %parallel_loop3A_309 : vector<16xf32>
          %parallel_loop3A_311 = arith.mulf %parallel_loop3A_282, %parallel_loop3A_228 : vector<16xf32>
          %parallel_loop3A_312 = arith.addf %parallel_loop3A_310, %parallel_loop3A_311 : vector<16xf32>
          %parallel_loop3A_313 = arith.mulf %parallel_loop3A_193, %parallel_loop3A_287 : vector<16xf32>
          %parallel_loop3A_314 = arith.mulf %parallel_loop3A_200, %parallel_loop3A_292 : vector<16xf32>
          %parallel_loop3A_315 = arith.addf %parallel_loop3A_313, %parallel_loop3A_314 : vector<16xf32>
          %parallel_loop3A_316 = arith.mulf %parallel_loop3A_207, %parallel_loop3A_297 : vector<16xf32>
          %parallel_loop3A_317 = arith.addf %parallel_loop3A_315, %parallel_loop3A_316 : vector<16xf32>
          %parallel_loop3A_318 = arith.mulf %parallel_loop3A_193, %parallel_loop3A_302 : vector<16xf32>
          %parallel_loop3A_319 = arith.mulf %parallel_loop3A_200, %parallel_loop3A_307 : vector<16xf32>
          %parallel_loop3A_320 = arith.addf %parallel_loop3A_318, %parallel_loop3A_319 : vector<16xf32>
          %parallel_loop3A_321 = arith.mulf %parallel_loop3A_207, %parallel_loop3A_312 : vector<16xf32>
          %parallel_loop3A_322 = arith.addf %parallel_loop3A_320, %parallel_loop3A_321 : vector<16xf32>
          %parallel_loop3A_323 = arith.mulf %parallel_loop3A_214, %parallel_loop3A_287 : vector<16xf32>
          %parallel_loop3A_324 = arith.mulf %parallel_loop3A_221, %parallel_loop3A_292 : vector<16xf32>
          %parallel_loop3A_325 = arith.addf %parallel_loop3A_323, %parallel_loop3A_324 : vector<16xf32>
          %parallel_loop3A_326 = arith.mulf %parallel_loop3A_228, %parallel_loop3A_297 : vector<16xf32>
          %parallel_loop3A_327 = arith.addf %parallel_loop3A_325, %parallel_loop3A_326 : vector<16xf32>
          %parallel_loop3A_328 = arith.mulf %parallel_loop3A_214, %parallel_loop3A_302 : vector<16xf32>
          %parallel_loop3A_329 = arith.mulf %parallel_loop3A_221, %parallel_loop3A_307 : vector<16xf32>
          %parallel_loop3A_330 = arith.addf %parallel_loop3A_328, %parallel_loop3A_329 : vector<16xf32>
          %parallel_loop3A_331 = arith.mulf %parallel_loop3A_228, %parallel_loop3A_312 : vector<16xf32>
          %parallel_loop3A_332 = arith.addf %parallel_loop3A_330, %parallel_loop3A_331 : vector<16xf32>
          %parallel_loop3A_333 = arith.constant 1.000000e+00 : f32
          %parallel_loop3A_334 = vector.broadcast %parallel_loop3A_333 : f32 to vector<16xf32>
          %parallel_loop3A_335 = arith.divf %parallel_loop3A_334, %parallel_loop3A_186 : vector<16xf32>
          %parallel_loop3A_336 = arith.mulf %parallel_loop3A_335, %parallel_loop3A_335 : vector<16xf32>
          %parallel_loop3A_337 = arith.mulf %parallel_loop3A_336, %parallel_loop3A_336 : vector<16xf32>
          %parallel_loop3A_338 = arith.constant 336 : index
          %parallel_loop3A_339 = tpu.vector_load %arg12[%parallel_loop3A_338] {strides = array<i32>} : memref<384xf32, #tpu.memory_space<vmem>>, vector<16xf32>,
          %parallel_loop3A_340 = arith.mulf %parallel_loop3A_339, %parallel_loop3A_337 : vector<16xf32>
          %parallel_loop3A_341 = arith.mulf %parallel_loop3A_317, %parallel_loop3A_340 : vector<16xf32>
          %parallel_loop3A_342 = arith.constant 0 : i32
          %parallel_loop3A_343 = arith.constant 0 : i32
          %parallel_loop3A_344 = arith.index_cast %parallel_loop3A_342 : i32 to index
          %parallel_loop3A_345 = arith.index_cast %parallel_loop3A_343 : i32 to index
          %parallel_loop3A_346 = arith.index_cast %parallel_loop3A_87 : i32 to index
          %parallel_loop3A_347 = tpu.vector_load %arg10[%parallel_loop3A_344, %parallel_loop3A_345, %parallel_loop3A_346] {strides = array<i32>} : memref<2x2x3200xf32, #tpu.memory_space<vmem>>, vector<16xf32>,
          tpu.vector_store %arg10[%parallel_loop3A_344, %parallel_loop3A_345, %parallel_loop3A_346], %parallel_loop3A_341 {strides = array<i32>} : memref<2x2x3200xf32, #tpu.memory_space<vmem>>, vector<16xf32>,
          %parallel_loop3A_348 = arith.constant 352 : index
          %parallel_loop3A_349 = tpu.vector_load %arg12[%parallel_loop3A_348] {strides = array<i32>} : memref<384xf32, #tpu.memory_space<vmem>>, vector<16xf32>,
          %parallel_loop3A_350 = arith.mulf %parallel_loop3A_349, %parallel_loop3A_337 : vector<16xf32>
          %parallel_loop3A_351 = arith.mulf %parallel_loop3A_322, %parallel_loop3A_350 : vector<16xf32>
          %parallel_loop3A_352 = arith.constant 0 : i32
          %parallel_loop3A_353 = arith.constant 1 : i32
          %parallel_loop3A_354 = arith.index_cast %parallel_loop3A_352 : i32 to index
          %parallel_loop3A_355 = arith.index_cast %parallel_loop3A_353 : i32 to index
          %parallel_loop3A_356 = arith.index_cast %parallel_loop3A_87 : i32 to index
          %parallel_loop3A_357 = tpu.vector_load %arg10[%parallel_loop3A_354, %parallel_loop3A_355, %parallel_loop3A_356] {strides = array<i32>} : memref<2x2x3200xf32, #tpu.memory_space<vmem>>, vector<16xf32>,
          tpu.vector_store %arg10[%parallel_loop3A_354, %parallel_loop3A_355, %parallel_loop3A_356], %parallel_loop3A_351 {strides = array<i32>} : memref<2x2x3200xf32, #tpu.memory_space<vmem>>, vector<16xf32>,
          %parallel_loop3A_358 = arith.constant 352 : index
          %parallel_loop3A_359 = tpu.vector_load %arg12[%parallel_loop3A_358] {strides = array<i32>} : memref<384xf32, #tpu.memory_space<vmem>>, vector<16xf32>,
          %parallel_loop3A_360 = arith.mulf %parallel_loop3A_359, %parallel_loop3A_337 : vector<16xf32>
          %parallel_loop3A_361 = arith.mulf %parallel_loop3A_327, %parallel_loop3A_360 : vector<16xf32>
          %parallel_loop3A_362 = arith.constant 1 : i32
          %parallel_loop3A_363 = arith.constant 0 : i32
          %parallel_loop3A_364 = arith.index_cast %parallel_loop3A_362 : i32 to index
          %parallel_loop3A_365 = arith.index_cast %parallel_loop3A_363 : i32 to index
          %parallel_loop3A_366 = arith.index_cast %parallel_loop3A_87 : i32 to index
          %parallel_loop3A_367 = tpu.vector_load %arg10[%parallel_loop3A_364, %parallel_loop3A_365, %parallel_loop3A_366] {strides = array<i32>} : memref<2x2x3200xf32, #tpu.memory_space<vmem>>, vector<16xf32>,
          tpu.vector_store %arg10[%parallel_loop3A_364, %parallel_loop3A_365, %parallel_loop3A_366], %parallel_loop3A_361 {strides = array<i32>} : memref<2x2x3200xf32, #tpu.memory_space<vmem>>, vector<16xf32>,
          %parallel_loop3A_368 = arith.constant 368 : index
          %parallel_loop3A_369 = tpu.vector_load %arg12[%parallel_loop3A_368] {strides = array<i32>} : memref<384xf32, #tpu.memory_space<vmem>>, vector<16xf32>,
          %parallel_loop3A_370 = arith.mulf %parallel_loop3A_369, %parallel_loop3A_337 : vector<16xf32>
          %parallel_loop3A_371 = arith.mulf %parallel_loop3A_332, %parallel_loop3A_370 : vector<16xf32>
          %parallel_loop3A_372 = arith.constant 1 : i32
          %parallel_loop3A_373 = arith.constant 1 : i32
          %parallel_loop3A_374 = arith.index_cast %parallel_loop3A_372 : i32 to index
          %parallel_loop3A_375 = arith.index_cast %parallel_loop3A_373 : i32 to index
          %parallel_loop3A_376 = arith.index_cast %parallel_loop3A_87 : i32 to index
          %parallel_loop3A_377 = tpu.vector_load %arg10[%parallel_loop3A_374, %parallel_loop3A_375, %parallel_loop3A_376] {strides = array<i32>} : memref<2x2x3200xf32, #tpu.memory_space<vmem>>, vector<16xf32>,
          tpu.vector_store %arg10[%parallel_loop3A_374, %parallel_loop3A_375, %parallel_loop3A_376], %parallel_loop3A_371 {strides = array<i32>} : memref<2x2x3200xf32, #tpu.memory_space<vmem>>, vector<16xf32>,
        } {sc.loop_unroll_factor = 8 : i64, sc.parallel_access}
        %mul3A_78 = arith.constant 3200 : i32
        %mul3A_79 = arith.muli %add3A_29, %mul3A_78 : i32
        %dma_start3A = arith.constant 0 : i32
        %dma_start3A_80 = arith.constant 0 : i32
        %dma_start3A_81 = tpu.memref_slice %arg5[%dma_start3A, %dma_start3A_80, %mul3A_79] : memref<2x2x2000000xf32, #tpu.memory_space<hbm>> -> memref<2x2x3200xf32, #tpu.memory_space<hbm>>
        %dma_start3A_82 = arith.constant 0 : i32
        %dma_start3A_83 = arith.constant 0 : i32
        %dma_start3A_84 = tpu.memref_slice %arg5[%dma_start3A_82, %dma_start3A_83, %mul3A_79] : memref<2x2x2000000xf32, #tpu.memory_space<hbm>> -> memref<2x2x3200xf32, #tpu.memory_space<hbm>>
        tpu.enqueue_dma source(%arg10 : memref<2x2x3200xf32, #tpu.memory_space<vmem>>) target(%dma_start3A_84 : memref<2x2x3200xf32, #tpu.memory_space<hbm>>) target_semaphore(%arg15 : memref<!tpu.dma_semaphore, #tpu.memory_space<semaphore_mem>>)
      } else {
      }
      %mul3A_48 = arith.constant 2 : i32
      %mul3A_49 = arith.muli %scan3A_22, %mul3A_48 : i32
      %add3A_50 = arith.constant 1 : i32
      %add3A_51 = arith.addi %mul3A_49, %add3A_50 : i32
      %mul3A_52 = arith.constant 32 : i32
      %mul3A_53 = arith.muli %add3A_51, %mul3A_52 : i32
      %add3A_54 = arith.addi %add3A, %mul3A_53 : i32
      %add3A_55 = arith.constant 32 : i32
      %add3A_56 = arith.addi %add3A_54, %add3A_55 : i32
      %lt3A_57 = arith.constant 625 : i32
      %lt3A_58 = arith.cmpi slt, %add3A_54, %lt3A_57 : i32
      %convert_element_type3A_59 = arith.extui %lt3A_58 : i1 to i32
      %cond3A_60 = arith.constant 0 : i32
      %cond3A_61 = arith.cmpi ne, %convert_element_type3A_59, %cond3A_60 : i32
      scf.if %cond3A_61 {
        %mul3A_76 = arith.constant 3200 : i32
        %mul3A_77 = arith.muli %add3A_54, %mul3A_76 : i32
        %dma_wait3A = arith.constant 0 : i32
        %dma_wait3A_78 = tpu.memref_slice %arg2[%dma_wait3A, %mul3A_77] : memref<3x2000000xf32, #tpu.memory_space<hbm>> -> memref<3x3200xf32, #tpu.memory_space<hbm>>
        %dma_wait3A_79 = arith.constant 0 : i32
        %dma_wait3A_80 = tpu.memref_slice %arg2[%dma_wait3A_79, %mul3A_77] : memref<3x2000000xf32, #tpu.memory_space<hbm>> -> memref<3x3200xf32, #tpu.memory_space<hbm>>
        tpu.wait_dma2 semaphore(%arg14 : memref<!tpu.dma_semaphore, #tpu.memory_space<semaphore_mem>>) src(%dma_wait3A_80 : memref<3x3200xf32, #tpu.memory_space<hbm>>) dst(%arg7 : memref<3x3200xf32, #tpu.memory_space<vmem>>)
        %dma_wait3A_81 = arith.constant 0 : i32
        %dma_wait3A_82 = arith.constant 0 : i32
        %dma_wait3A_83 = tpu.memref_slice %arg3[%dma_wait3A_81, %dma_wait3A_82, %mul3A_77] : memref<3x3x2000000xf32, #tpu.memory_space<hbm>> -> memref<3x3x3200xf32, #tpu.memory_space<hbm>>
        %dma_wait3A_84 = arith.constant 0 : i32
        %dma_wait3A_85 = arith.constant 0 : i32
        %dma_wait3A_86 = tpu.memref_slice %arg3[%dma_wait3A_84, %dma_wait3A_85, %mul3A_77] : memref<3x3x2000000xf32, #tpu.memory_space<hbm>> -> memref<3x3x3200xf32, #tpu.memory_space<hbm>>
        tpu.wait_dma2 semaphore(%arg14 : memref<!tpu.dma_semaphore, #tpu.memory_space<semaphore_mem>>) src(%dma_wait3A_86 : memref<3x3x3200xf32, #tpu.memory_space<hbm>>) dst(%arg9 : memref<3x3x3200xf32, #tpu.memory_space<vmem>>)
        %lt3A_87 = arith.constant 625 : i32
        %lt3A_88 = arith.cmpi slt, %add3A_56, %lt3A_87 : i32
        %convert_element_type3A_89 = arith.extui %lt3A_88 : i1 to i32
        %cond3A_90 = arith.constant 0 : i32
        %cond3A_91 = arith.cmpi ne, %convert_element_type3A_89, %cond3A_90 : i32
        scf.if %cond3A_91 {
          %mul3A_92 = arith.constant 3200 : i32
          %mul3A_93 = arith.muli %add3A_56, %mul3A_92 : i32
          %dma_start3A = arith.constant 0 : i32
          %dma_start3A_94 = tpu.memref_slice %arg2[%dma_start3A, %mul3A_93] : memref<3x2000000xf32, #tpu.memory_space<hbm>> -> memref<3x3200xf32, #tpu.memory_space<hbm>>
          %dma_start3A_95 = arith.constant 0 : i32
          %dma_start3A_96 = tpu.memref_slice %arg2[%dma_start3A_95, %mul3A_93] : memref<3x2000000xf32, #tpu.memory_space<hbm>> -> memref<3x3200xf32, #tpu.memory_space<hbm>>
          tpu.enqueue_dma source(%dma_start3A_96 : memref<3x3200xf32, #tpu.memory_space<hbm>>) target(%arg6 : memref<3x3200xf32, #tpu.memory_space<vmem>>) target_semaphore(%arg13 : memref<!tpu.dma_semaphore, #tpu.memory_space<semaphore_mem>>)
          %dma_start3A_97 = arith.constant 0 : i32
          %dma_start3A_98 = arith.constant 0 : i32
          %dma_start3A_99 = tpu.memref_slice %arg3[%dma_start3A_97, %dma_start3A_98, %mul3A_93] : memref<3x3x2000000xf32, #tpu.memory_space<hbm>> -> memref<3x3x3200xf32, #tpu.memory_space<hbm>>
          %dma_start3A_100 = arith.constant 0 : i32
          %dma_start3A_101 = arith.constant 0 : i32
          %dma_start3A_102 = tpu.memref_slice %arg3[%dma_start3A_100, %dma_start3A_101, %mul3A_93] : memref<3x3x2000000xf32, #tpu.memory_space<hbm>> -> memref<3x3x3200xf32, #tpu.memory_space<hbm>>
          tpu.enqueue_dma source(%dma_start3A_102 : memref<3x3x3200xf32, #tpu.memory_space<hbm>>) target(%arg8 : memref<3x3x3200xf32, #tpu.memory_space<vmem>>) target_semaphore(%arg13 : memref<!tpu.dma_semaphore, #tpu.memory_space<semaphore_mem>>)
        } else {
        }
      } else {
      }
      %sub3A_62 = arith.constant 64 : i32
      %sub3A_63 = arith.subi %add3A_54, %sub3A_62 : i32
      %ge3A_64 = arith.cmpi sge, %sub3A_63, %add3A : i32
      %lt3A_65 = arith.constant 625 : i32
      %lt3A_66 = arith.cmpi slt, %sub3A_63, %lt3A_65 : i32
      %and3A_67 = arith.andi %ge3A_64, %lt3A_66 : i1
      %convert_element_type3A_68 = arith.extui %and3A_67 : i1 to i32
      %cond3A_69 = arith.constant 0 : i32
      %cond3A_70 = arith.cmpi ne, %convert_element_type3A_68, %cond3A_69 : i32
      scf.if %cond3A_70 {
        %mul3A_76 = arith.constant 3200 : i32
        %mul3A_77 = arith.muli %sub3A_63, %mul3A_76 : i32
        %dma_wait3A = arith.constant 0 : i32
        %dma_wait3A_78 = arith.constant 0 : i32
        %dma_wait3A_79 = tpu.memref_slice %arg5[%dma_wait3A, %dma_wait3A_78, %mul3A_77] : memref<2x2x2000000xf32, #tpu.memory_space<hbm>> -> memref<2x2x3200xf32, #tpu.memory_space<hbm>>
        %dma_wait3A_80 = arith.constant 0 : i32
        %dma_wait3A_81 = arith.constant 0 : i32
        %dma_wait3A_82 = tpu.memref_slice %arg5[%dma_wait3A_80, %dma_wait3A_81, %mul3A_77] : memref<2x2x2000000xf32, #tpu.memory_space<hbm>> -> memref<2x2x3200xf32, #tpu.memory_space<hbm>>
        tpu.wait_dma2 semaphore(%arg16 : memref<!tpu.dma_semaphore, #tpu.memory_space<semaphore_mem>>) src(%arg11 : memref<2x2x3200xf32, #tpu.memory_space<vmem>>) dst(%dma_wait3A_82 : memref<2x2x3200xf32, #tpu.memory_space<hbm>>)
      } else {
      }
      %lt3A_71 = arith.constant 625 : i32
      %lt3A_72 = arith.cmpi slt, %add3A_54, %lt3A_71 : i32
      %convert_element_type3A_73 = arith.extui %lt3A_72 : i1 to i32
      %cond3A_74 = arith.constant 0 : i32
      %cond3A_75 = arith.cmpi ne, %convert_element_type3A_73, %cond3A_74 : i32
      scf.if %cond3A_75 {
        %parallel_loop3A = arith.constant 0 : i32
        %parallel_loop3A_76 = arith.constant 200 : i32
        %parallel_loop3A_77 = arith.constant 1 : i32
        scf.for %parallel_loop3A_85 = %parallel_loop3A to %parallel_loop3A_76 step %parallel_loop3A_77  : i32 {
          %parallel_loop3A_86 = arith.constant 16 : i32
          %parallel_loop3A_87 = arith.muli %parallel_loop3A_85, %parallel_loop3A_86 : i32
          %parallel_loop3A_88 = arith.constant 0 : i32
          %parallel_loop3A_89 = arith.index_cast %parallel_loop3A_88 : i32 to index
          %parallel_loop3A_90 = arith.index_cast %parallel_loop3A_87 : i32 to index
          %parallel_loop3A_91 = tpu.vector_load %arg7[%parallel_loop3A_89, %parallel_loop3A_90] {strides = array<i32>} : memref<3x3200xf32, #tpu.memory_space<vmem>>, vector<16xf32>,
          %parallel_loop3A_92 = vector.bitcast %parallel_loop3A_91 : vector<16xf32> to vector<16xi32>
          %parallel_loop3A_93 = arith.constant 16 : i32
          %parallel_loop3A_94 = vector.broadcast %parallel_loop3A_93 : i32 to vector<16xi32>
          %parallel_loop3A_95 = arith.shrui %parallel_loop3A_92, %parallel_loop3A_94 : vector<16xi32>
          %parallel_loop3A_96 = arith.constant 1 : i32
          %parallel_loop3A_97 = vector.broadcast %parallel_loop3A_96 : i32 to vector<16xi32>
          %parallel_loop3A_98 = arith.andi %parallel_loop3A_95, %parallel_loop3A_97 : vector<16xi32>
          %parallel_loop3A_99 = arith.addi %parallel_loop3A_92, %parallel_loop3A_98 : vector<16xi32>
          %parallel_loop3A_100 = arith.constant 32767 : i32
          %parallel_loop3A_101 = vector.broadcast %parallel_loop3A_100 : i32 to vector<16xi32>
          %parallel_loop3A_102 = arith.addi %parallel_loop3A_99, %parallel_loop3A_101 : vector<16xi32>
          %parallel_loop3A_103 = arith.constant -65536 : i32
          %parallel_loop3A_104 = vector.broadcast %parallel_loop3A_103 : i32 to vector<16xi32>
          %parallel_loop3A_105 = arith.andi %parallel_loop3A_102, %parallel_loop3A_104 : vector<16xi32>
          %parallel_loop3A_106 = vector.bitcast %parallel_loop3A_105 : vector<16xi32> to vector<16xf32>
          %parallel_loop3A_107 = arith.constant 1 : i32
          %parallel_loop3A_108 = arith.index_cast %parallel_loop3A_107 : i32 to index
          %parallel_loop3A_109 = arith.index_cast %parallel_loop3A_87 : i32 to index
          %parallel_loop3A_110 = tpu.vector_load %arg7[%parallel_loop3A_108, %parallel_loop3A_109] {strides = array<i32>} : memref<3x3200xf32, #tpu.memory_space<vmem>>, vector<16xf32>,
          %parallel_loop3A_111 = vector.bitcast %parallel_loop3A_110 : vector<16xf32> to vector<16xi32>
          %parallel_loop3A_112 = arith.constant 16 : i32
          %parallel_loop3A_113 = vector.broadcast %parallel_loop3A_112 : i32 to vector<16xi32>
          %parallel_loop3A_114 = arith.shrui %parallel_loop3A_111, %parallel_loop3A_113 : vector<16xi32>
          %parallel_loop3A_115 = arith.constant 1 : i32
          %parallel_loop3A_116 = vector.broadcast %parallel_loop3A_115 : i32 to vector<16xi32>
          %parallel_loop3A_117 = arith.andi %parallel_loop3A_114, %parallel_loop3A_116 : vector<16xi32>
          %parallel_loop3A_118 = arith.addi %parallel_loop3A_111, %parallel_loop3A_117 : vector<16xi32>
          %parallel_loop3A_119 = arith.constant 32767 : i32
          %parallel_loop3A_120 = vector.broadcast %parallel_loop3A_119 : i32 to vector<16xi32>
          %parallel_loop3A_121 = arith.addi %parallel_loop3A_118, %parallel_loop3A_120 : vector<16xi32>
          %parallel_loop3A_122 = arith.constant -65536 : i32
          %parallel_loop3A_123 = vector.broadcast %parallel_loop3A_122 : i32 to vector<16xi32>
          %parallel_loop3A_124 = arith.andi %parallel_loop3A_121, %parallel_loop3A_123 : vector<16xi32>
          %parallel_loop3A_125 = vector.bitcast %parallel_loop3A_124 : vector<16xi32> to vector<16xf32>
          %parallel_loop3A_126 = arith.constant 2 : i32
          %parallel_loop3A_127 = arith.index_cast %parallel_loop3A_126 : i32 to index
          %parallel_loop3A_128 = arith.index_cast %parallel_loop3A_87 : i32 to index
          %parallel_loop3A_129 = tpu.vector_load %arg7[%parallel_loop3A_127, %parallel_loop3A_128] {strides = array<i32>} : memref<3x3200xf32, #tpu.memory_space<vmem>>, vector<16xf32>,
          %parallel_loop3A_130 = vector.bitcast %parallel_loop3A_129 : vector<16xf32> to vector<16xi32>
          %parallel_loop3A_131 = arith.constant 16 : i32
          %parallel_loop3A_132 = vector.broadcast %parallel_loop3A_131 : i32 to vector<16xi32>
          %parallel_loop3A_133 = arith.shrui %parallel_loop3A_130, %parallel_loop3A_132 : vector<16xi32>
          %parallel_loop3A_134 = arith.constant 1 : i32
          %parallel_loop3A_135 = vector.broadcast %parallel_loop3A_134 : i32 to vector<16xi32>
          %parallel_loop3A_136 = arith.andi %parallel_loop3A_133, %parallel_loop3A_135 : vector<16xi32>
          %parallel_loop3A_137 = arith.addi %parallel_loop3A_130, %parallel_loop3A_136 : vector<16xi32>
          %parallel_loop3A_138 = arith.constant 32767 : i32
          %parallel_loop3A_139 = vector.broadcast %parallel_loop3A_138 : i32 to vector<16xi32>
          %parallel_loop3A_140 = arith.addi %parallel_loop3A_137, %parallel_loop3A_139 : vector<16xi32>
          %parallel_loop3A_141 = arith.constant -65536 : i32
          %parallel_loop3A_142 = vector.broadcast %parallel_loop3A_141 : i32 to vector<16xi32>
          %parallel_loop3A_143 = arith.andi %parallel_loop3A_140, %parallel_loop3A_142 : vector<16xi32>
          %parallel_loop3A_144 = vector.bitcast %parallel_loop3A_143 : vector<16xi32> to vector<16xf32>
          %parallel_loop3A_145 = arith.constant 0 : index
          %parallel_loop3A_146 = tpu.vector_load %arg12[%parallel_loop3A_145] {strides = array<i32>} : memref<384xf32, #tpu.memory_space<vmem>>, vector<16xf32>,
          %parallel_loop3A_147 = arith.mulf %parallel_loop3A_106, %parallel_loop3A_146 : vector<16xf32>
          %parallel_loop3A_148 = arith.constant 16 : index
          %parallel_loop3A_149 = tpu.vector_load %arg12[%parallel_loop3A_148] {strides = array<i32>} : memref<384xf32, #tpu.memory_space<vmem>>, vector<16xf32>,
          %parallel_loop3A_150 = arith.mulf %parallel_loop3A_125, %parallel_loop3A_149 : vector<16xf32>
          %parallel_loop3A_151 = arith.addf %parallel_loop3A_147, %parallel_loop3A_150 : vector<16xf32>
          %parallel_loop3A_152 = arith.constant 32 : index
          %parallel_loop3A_153 = tpu.vector_load %arg12[%parallel_loop3A_152] {strides = array<i32>} : memref<384xf32, #tpu.memory_space<vmem>>, vector<16xf32>,
          %parallel_loop3A_154 = arith.mulf %parallel_loop3A_144, %parallel_loop3A_153 : vector<16xf32>
          %parallel_loop3A_155 = arith.addf %parallel_loop3A_151, %parallel_loop3A_154 : vector<16xf32>
          %parallel_loop3A_156 = arith.constant 48 : index
          %parallel_loop3A_157 = tpu.vector_load %arg12[%parallel_loop3A_156] {strides = array<i32>} : memref<384xf32, #tpu.memory_space<vmem>>, vector<16xf32>,
          %parallel_loop3A_158 = arith.addf %parallel_loop3A_155, %parallel_loop3A_157 : vector<16xf32>
          %parallel_loop3A_159 = arith.constant 64 : index
          %parallel_loop3A_160 = tpu.vector_load %arg12[%parallel_loop3A_159] {strides = array<i32>} : memref<384xf32, #tpu.memory_space<vmem>>, vector<16xf32>,
          %parallel_loop3A_161 = arith.mulf %parallel_loop3A_106, %parallel_loop3A_160 : vector<16xf32>
          %parallel_loop3A_162 = arith.constant 80 : index
          %parallel_loop3A_163 = tpu.vector_load %arg12[%parallel_loop3A_162] {strides = array<i32>} : memref<384xf32, #tpu.memory_space<vmem>>, vector<16xf32>,
          %parallel_loop3A_164 = arith.mulf %parallel_loop3A_125, %parallel_loop3A_163 : vector<16xf32>
          %parallel_loop3A_165 = arith.addf %parallel_loop3A_161, %parallel_loop3A_164 : vector<16xf32>
          %parallel_loop3A_166 = arith.constant 96 : index
          %parallel_loop3A_167 = tpu.vector_load %arg12[%parallel_loop3A_166] {strides = array<i32>} : memref<384xf32, #tpu.memory_space<vmem>>, vector<16xf32>,
          %parallel_loop3A_168 = arith.mulf %parallel_loop3A_144, %parallel_loop3A_167 : vector<16xf32>
          %parallel_loop3A_169 = arith.addf %parallel_loop3A_165, %parallel_loop3A_168 : vector<16xf32>
          %parallel_loop3A_170 = arith.constant 112 : index
          %parallel_loop3A_171 = tpu.vector_load %arg12[%parallel_loop3A_170] {strides = array<i32>} : memref<384xf32, #tpu.memory_space<vmem>>, vector<16xf32>,
          %parallel_loop3A_172 = arith.addf %parallel_loop3A_169, %parallel_loop3A_171 : vector<16xf32>
          %parallel_loop3A_173 = arith.constant 128 : index
          %parallel_loop3A_174 = tpu.vector_load %arg12[%parallel_loop3A_173] {strides = array<i32>} : memref<384xf32, #tpu.memory_space<vmem>>, vector<16xf32>,
          %parallel_loop3A_175 = arith.mulf %parallel_loop3A_106, %parallel_loop3A_174 : vector<16xf32>
          %parallel_loop3A_176 = arith.constant 144 : index
          %parallel_loop3A_177 = tpu.vector_load %arg12[%parallel_loop3A_176] {strides = array<i32>} : memref<384xf32, #tpu.memory_space<vmem>>, vector<16xf32>,
          %parallel_loop3A_178 = arith.mulf %parallel_loop3A_125, %parallel_loop3A_177 : vector<16xf32>
          %parallel_loop3A_179 = arith.addf %parallel_loop3A_175, %parallel_loop3A_178 : vector<16xf32>
          %parallel_loop3A_180 = arith.constant 160 : index
          %parallel_loop3A_181 = tpu.vector_load %arg12[%parallel_loop3A_180] {strides = array<i32>} : memref<384xf32, #tpu.memory_space<vmem>>, vector<16xf32>,
          %parallel_loop3A_182 = arith.mulf %parallel_loop3A_144, %parallel_loop3A_181 : vector<16xf32>
          %parallel_loop3A_183 = arith.addf %parallel_loop3A_179, %parallel_loop3A_182 : vector<16xf32>
          %parallel_loop3A_184 = arith.constant 176 : index
          %parallel_loop3A_185 = tpu.vector_load %arg12[%parallel_loop3A_184] {strides = array<i32>} : memref<384xf32, #tpu.memory_space<vmem>>, vector<16xf32>,
          %parallel_loop3A_186 = arith.addf %parallel_loop3A_183, %parallel_loop3A_185 : vector<16xf32>
          %parallel_loop3A_187 = arith.constant 192 : index
          %parallel_loop3A_188 = tpu.vector_load %arg12[%parallel_loop3A_187] {strides = array<i32>} : memref<384xf32, #tpu.memory_space<vmem>>, vector<16xf32>,
          %parallel_loop3A_189 = arith.mulf %parallel_loop3A_186, %parallel_loop3A_188 : vector<16xf32>
          %parallel_loop3A_190 = arith.constant 224 : index
          %parallel_loop3A_191 = tpu.vector_load %arg12[%parallel_loop3A_190] {strides = array<i32>} : memref<384xf32, #tpu.memory_space<vmem>>, vector<16xf32>,
          %parallel_loop3A_192 = arith.mulf %parallel_loop3A_158, %parallel_loop3A_191 : vector<16xf32>
          %parallel_loop3A_193 = arith.addf %parallel_loop3A_189, %parallel_loop3A_192 : vector<16xf32>
          %parallel_loop3A_194 = arith.constant 240 : index
          %parallel_loop3A_195 = tpu.vector_load %arg12[%parallel_loop3A_194] {strides = array<i32>} : memref<384xf32, #tpu.memory_space<vmem>>, vector<16xf32>,
          %parallel_loop3A_196 = arith.mulf %parallel_loop3A_186, %parallel_loop3A_195 : vector<16xf32>
          %parallel_loop3A_197 = arith.constant 272 : index
          %parallel_loop3A_198 = tpu.vector_load %arg12[%parallel_loop3A_197] {strides = array<i32>} : memref<384xf32, #tpu.memory_space<vmem>>, vector<16xf32>,
          %parallel_loop3A_199 = arith.mulf %parallel_loop3A_158, %parallel_loop3A_198 : vector<16xf32>
          %parallel_loop3A_200 = arith.addf %parallel_loop3A_196, %parallel_loop3A_199 : vector<16xf32>
          %parallel_loop3A_201 = arith.constant 288 : index
          %parallel_loop3A_202 = tpu.vector_load %arg12[%parallel_loop3A_201] {strides = array<i32>} : memref<384xf32, #tpu.memory_space<vmem>>, vector<16xf32>,
          %parallel_loop3A_203 = arith.mulf %parallel_loop3A_186, %parallel_loop3A_202 : vector<16xf32>
          %parallel_loop3A_204 = arith.constant 320 : index
          %parallel_loop3A_205 = tpu.vector_load %arg12[%parallel_loop3A_204] {strides = array<i32>} : memref<384xf32, #tpu.memory_space<vmem>>, vector<16xf32>,
          %parallel_loop3A_206 = arith.mulf %parallel_loop3A_158, %parallel_loop3A_205 : vector<16xf32>
          %parallel_loop3A_207 = arith.addf %parallel_loop3A_203, %parallel_loop3A_206 : vector<16xf32>
          %parallel_loop3A_208 = arith.constant 208 : index
          %parallel_loop3A_209 = tpu.vector_load %arg12[%parallel_loop3A_208] {strides = array<i32>} : memref<384xf32, #tpu.memory_space<vmem>>, vector<16xf32>,
          %parallel_loop3A_210 = arith.mulf %parallel_loop3A_186, %parallel_loop3A_209 : vector<16xf32>
          %parallel_loop3A_211 = arith.constant 224 : index
          %parallel_loop3A_212 = tpu.vector_load %arg12[%parallel_loop3A_211] {strides = array<i32>} : memref<384xf32, #tpu.memory_space<vmem>>, vector<16xf32>,
          %parallel_loop3A_213 = arith.mulf %parallel_loop3A_172, %parallel_loop3A_212 : vector<16xf32>
          %parallel_loop3A_214 = arith.addf %parallel_loop3A_210, %parallel_loop3A_213 : vector<16xf32>
          %parallel_loop3A_215 = arith.constant 256 : index
          %parallel_loop3A_216 = tpu.vector_load %arg12[%parallel_loop3A_215] {strides = array<i32>} : memref<384xf32, #tpu.memory_space<vmem>>, vector<16xf32>,
          %parallel_loop3A_217 = arith.mulf %parallel_loop3A_186, %parallel_loop3A_216 : vector<16xf32>
          %parallel_loop3A_218 = arith.constant 272 : index
          %parallel_loop3A_219 = tpu.vector_load %arg12[%parallel_loop3A_218] {strides = array<i32>} : memref<384xf32, #tpu.memory_space<vmem>>, vector<16xf32>,
          %parallel_loop3A_220 = arith.mulf %parallel_loop3A_172, %parallel_loop3A_219 : vector<16xf32>
          %parallel_loop3A_221 = arith.addf %parallel_loop3A_217, %parallel_loop3A_220 : vector<16xf32>
          %parallel_loop3A_222 = arith.constant 304 : index
          %parallel_loop3A_223 = tpu.vector_load %arg12[%parallel_loop3A_222] {strides = array<i32>} : memref<384xf32, #tpu.memory_space<vmem>>, vector<16xf32>,
          %parallel_loop3A_224 = arith.mulf %parallel_loop3A_186, %parallel_loop3A_223 : vector<16xf32>
          %parallel_loop3A_225 = arith.constant 320 : index
          %parallel_loop3A_226 = tpu.vector_load %arg12[%parallel_loop3A_225] {strides = array<i32>} : memref<384xf32, #tpu.memory_space<vmem>>, vector<16xf32>,
          %parallel_loop3A_227 = arith.mulf %parallel_loop3A_172, %parallel_loop3A_226 : vector<16xf32>
          %parallel_loop3A_228 = arith.addf %parallel_loop3A_224, %parallel_loop3A_227 : vector<16xf32>
          %parallel_loop3A_229 = arith.constant 0 : i32
          %parallel_loop3A_230 = arith.constant 0 : i32
          %parallel_loop3A_231 = arith.index_cast %parallel_loop3A_229 : i32 to index
          %parallel_loop3A_232 = arith.index_cast %parallel_loop3A_230 : i32 to index
          %parallel_loop3A_233 = arith.index_cast %parallel_loop3A_87 : i32 to index
          %parallel_loop3A_234 = tpu.vector_load %arg9[%parallel_loop3A_231, %parallel_loop3A_232, %parallel_loop3A_233] {strides = array<i32>} : memref<3x3x3200xf32, #tpu.memory_space<vmem>>, vector<16xf32>,
          %parallel_loop3A_235 = arith.constant 0 : i32
          %parallel_loop3A_236 = arith.constant 1 : i32
          %parallel_loop3A_237 = arith.index_cast %parallel_loop3A_235 : i32 to index
          %parallel_loop3A_238 = arith.index_cast %parallel_loop3A_236 : i32 to index
          %parallel_loop3A_239 = arith.index_cast %parallel_loop3A_87 : i32 to index
          %parallel_loop3A_240 = tpu.vector_load %arg9[%parallel_loop3A_237, %parallel_loop3A_238, %parallel_loop3A_239] {strides = array<i32>} : memref<3x3x3200xf32, #tpu.memory_space<vmem>>, vector<16xf32>,
          %parallel_loop3A_241 = arith.constant 0 : i32
          %parallel_loop3A_242 = arith.constant 2 : i32
          %parallel_loop3A_243 = arith.index_cast %parallel_loop3A_241 : i32 to index
          %parallel_loop3A_244 = arith.index_cast %parallel_loop3A_242 : i32 to index
          %parallel_loop3A_245 = arith.index_cast %parallel_loop3A_87 : i32 to index
          %parallel_loop3A_246 = tpu.vector_load %arg9[%parallel_loop3A_243, %parallel_loop3A_244, %parallel_loop3A_245] {strides = array<i32>} : memref<3x3x3200xf32, #tpu.memory_space<vmem>>, vector<16xf32>,
          %parallel_loop3A_247 = arith.constant 1 : i32
          %parallel_loop3A_248 = arith.constant 0 : i32
          %parallel_loop3A_249 = arith.index_cast %parallel_loop3A_247 : i32 to index
          %parallel_loop3A_250 = arith.index_cast %parallel_loop3A_248 : i32 to index
          %parallel_loop3A_251 = arith.index_cast %parallel_loop3A_87 : i32 to index
          %parallel_loop3A_252 = tpu.vector_load %arg9[%parallel_loop3A_249, %parallel_loop3A_250, %parallel_loop3A_251] {strides = array<i32>} : memref<3x3x3200xf32, #tpu.memory_space<vmem>>, vector<16xf32>,
          %parallel_loop3A_253 = arith.constant 1 : i32
          %parallel_loop3A_254 = arith.constant 1 : i32
          %parallel_loop3A_255 = arith.index_cast %parallel_loop3A_253 : i32 to index
          %parallel_loop3A_256 = arith.index_cast %parallel_loop3A_254 : i32 to index
          %parallel_loop3A_257 = arith.index_cast %parallel_loop3A_87 : i32 to index
          %parallel_loop3A_258 = tpu.vector_load %arg9[%parallel_loop3A_255, %parallel_loop3A_256, %parallel_loop3A_257] {strides = array<i32>} : memref<3x3x3200xf32, #tpu.memory_space<vmem>>, vector<16xf32>,
          %parallel_loop3A_259 = arith.constant 1 : i32
          %parallel_loop3A_260 = arith.constant 2 : i32
          %parallel_loop3A_261 = arith.index_cast %parallel_loop3A_259 : i32 to index
          %parallel_loop3A_262 = arith.index_cast %parallel_loop3A_260 : i32 to index
          %parallel_loop3A_263 = arith.index_cast %parallel_loop3A_87 : i32 to index
          %parallel_loop3A_264 = tpu.vector_load %arg9[%parallel_loop3A_261, %parallel_loop3A_262, %parallel_loop3A_263] {strides = array<i32>} : memref<3x3x3200xf32, #tpu.memory_space<vmem>>, vector<16xf32>,
          %parallel_loop3A_265 = arith.constant 2 : i32
          %parallel_loop3A_266 = arith.constant 0 : i32
          %parallel_loop3A_267 = arith.index_cast %parallel_loop3A_265 : i32 to index
          %parallel_loop3A_268 = arith.index_cast %parallel_loop3A_266 : i32 to index
          %parallel_loop3A_269 = arith.index_cast %parallel_loop3A_87 : i32 to index
          %parallel_loop3A_270 = tpu.vector_load %arg9[%parallel_loop3A_267, %parallel_loop3A_268, %parallel_loop3A_269] {strides = array<i32>} : memref<3x3x3200xf32, #tpu.memory_space<vmem>>, vector<16xf32>,
          %parallel_loop3A_271 = arith.constant 2 : i32
          %parallel_loop3A_272 = arith.constant 1 : i32
          %parallel_loop3A_273 = arith.index_cast %parallel_loop3A_271 : i32 to index
          %parallel_loop3A_274 = arith.index_cast %parallel_loop3A_272 : i32 to index
          %parallel_loop3A_275 = arith.index_cast %parallel_loop3A_87 : i32 to index
          %parallel_loop3A_276 = tpu.vector_load %arg9[%parallel_loop3A_273, %parallel_loop3A_274, %parallel_loop3A_275] {strides = array<i32>} : memref<3x3x3200xf32, #tpu.memory_space<vmem>>, vector<16xf32>,
          %parallel_loop3A_277 = arith.constant 2 : i32
          %parallel_loop3A_278 = arith.constant 2 : i32
          %parallel_loop3A_279 = arith.index_cast %parallel_loop3A_277 : i32 to index
          %parallel_loop3A_280 = arith.index_cast %parallel_loop3A_278 : i32 to index
          %parallel_loop3A_281 = arith.index_cast %parallel_loop3A_87 : i32 to index
          %parallel_loop3A_282 = tpu.vector_load %arg9[%parallel_loop3A_279, %parallel_loop3A_280, %parallel_loop3A_281] {strides = array<i32>} : memref<3x3x3200xf32, #tpu.memory_space<vmem>>, vector<16xf32>,
          %parallel_loop3A_283 = arith.mulf %parallel_loop3A_234, %parallel_loop3A_193 : vector<16xf32>
          %parallel_loop3A_284 = arith.mulf %parallel_loop3A_240, %parallel_loop3A_200 : vector<16xf32>
          %parallel_loop3A_285 = arith.addf %parallel_loop3A_283, %parallel_loop3A_284 : vector<16xf32>
          %parallel_loop3A_286 = arith.mulf %parallel_loop3A_246, %parallel_loop3A_207 : vector<16xf32>
          %parallel_loop3A_287 = arith.addf %parallel_loop3A_285, %parallel_loop3A_286 : vector<16xf32>
          %parallel_loop3A_288 = arith.mulf %parallel_loop3A_252, %parallel_loop3A_193 : vector<16xf32>
          %parallel_loop3A_289 = arith.mulf %parallel_loop3A_258, %parallel_loop3A_200 : vector<16xf32>
          %parallel_loop3A_290 = arith.addf %parallel_loop3A_288, %parallel_loop3A_289 : vector<16xf32>
          %parallel_loop3A_291 = arith.mulf %parallel_loop3A_264, %parallel_loop3A_207 : vector<16xf32>
          %parallel_loop3A_292 = arith.addf %parallel_loop3A_290, %parallel_loop3A_291 : vector<16xf32>
          %parallel_loop3A_293 = arith.mulf %parallel_loop3A_270, %parallel_loop3A_193 : vector<16xf32>
          %parallel_loop3A_294 = arith.mulf %parallel_loop3A_276, %parallel_loop3A_200 : vector<16xf32>
          %parallel_loop3A_295 = arith.addf %parallel_loop3A_293, %parallel_loop3A_294 : vector<16xf32>
          %parallel_loop3A_296 = arith.mulf %parallel_loop3A_282, %parallel_loop3A_207 : vector<16xf32>
          %parallel_loop3A_297 = arith.addf %parallel_loop3A_295, %parallel_loop3A_296 : vector<16xf32>
          %parallel_loop3A_298 = arith.mulf %parallel_loop3A_234, %parallel_loop3A_214 : vector<16xf32>
          %parallel_loop3A_299 = arith.mulf %parallel_loop3A_240, %parallel_loop3A_221 : vector<16xf32>
          %parallel_loop3A_300 = arith.addf %parallel_loop3A_298, %parallel_loop3A_299 : vector<16xf32>
          %parallel_loop3A_301 = arith.mulf %parallel_loop3A_246, %parallel_loop3A_228 : vector<16xf32>
          %parallel_loop3A_302 = arith.addf %parallel_loop3A_300, %parallel_loop3A_301 : vector<16xf32>
          %parallel_loop3A_303 = arith.mulf %parallel_loop3A_252, %parallel_loop3A_214 : vector<16xf32>
          %parallel_loop3A_304 = arith.mulf %parallel_loop3A_258, %parallel_loop3A_221 : vector<16xf32>
          %parallel_loop3A_305 = arith.addf %parallel_loop3A_303, %parallel_loop3A_304 : vector<16xf32>
          %parallel_loop3A_306 = arith.mulf %parallel_loop3A_264, %parallel_loop3A_228 : vector<16xf32>
          %parallel_loop3A_307 = arith.addf %parallel_loop3A_305, %parallel_loop3A_306 : vector<16xf32>
          %parallel_loop3A_308 = arith.mulf %parallel_loop3A_270, %parallel_loop3A_214 : vector<16xf32>
          %parallel_loop3A_309 = arith.mulf %parallel_loop3A_276, %parallel_loop3A_221 : vector<16xf32>
          %parallel_loop3A_310 = arith.addf %parallel_loop3A_308, %parallel_loop3A_309 : vector<16xf32>
          %parallel_loop3A_311 = arith.mulf %parallel_loop3A_282, %parallel_loop3A_228 : vector<16xf32>
          %parallel_loop3A_312 = arith.addf %parallel_loop3A_310, %parallel_loop3A_311 : vector<16xf32>
          %parallel_loop3A_313 = arith.mulf %parallel_loop3A_193, %parallel_loop3A_287 : vector<16xf32>
          %parallel_loop3A_314 = arith.mulf %parallel_loop3A_200, %parallel_loop3A_292 : vector<16xf32>
          %parallel_loop3A_315 = arith.addf %parallel_loop3A_313, %parallel_loop3A_314 : vector<16xf32>
          %parallel_loop3A_316 = arith.mulf %parallel_loop3A_207, %parallel_loop3A_297 : vector<16xf32>
          %parallel_loop3A_317 = arith.addf %parallel_loop3A_315, %parallel_loop3A_316 : vector<16xf32>
          %parallel_loop3A_318 = arith.mulf %parallel_loop3A_193, %parallel_loop3A_302 : vector<16xf32>
          %parallel_loop3A_319 = arith.mulf %parallel_loop3A_200, %parallel_loop3A_307 : vector<16xf32>
          %parallel_loop3A_320 = arith.addf %parallel_loop3A_318, %parallel_loop3A_319 : vector<16xf32>
          %parallel_loop3A_321 = arith.mulf %parallel_loop3A_207, %parallel_loop3A_312 : vector<16xf32>
          %parallel_loop3A_322 = arith.addf %parallel_loop3A_320, %parallel_loop3A_321 : vector<16xf32>
          %parallel_loop3A_323 = arith.mulf %parallel_loop3A_214, %parallel_loop3A_287 : vector<16xf32>
          %parallel_loop3A_324 = arith.mulf %parallel_loop3A_221, %parallel_loop3A_292 : vector<16xf32>
          %parallel_loop3A_325 = arith.addf %parallel_loop3A_323, %parallel_loop3A_324 : vector<16xf32>
          %parallel_loop3A_326 = arith.mulf %parallel_loop3A_228, %parallel_loop3A_297 : vector<16xf32>
          %parallel_loop3A_327 = arith.addf %parallel_loop3A_325, %parallel_loop3A_326 : vector<16xf32>
          %parallel_loop3A_328 = arith.mulf %parallel_loop3A_214, %parallel_loop3A_302 : vector<16xf32>
          %parallel_loop3A_329 = arith.mulf %parallel_loop3A_221, %parallel_loop3A_307 : vector<16xf32>
          %parallel_loop3A_330 = arith.addf %parallel_loop3A_328, %parallel_loop3A_329 : vector<16xf32>
          %parallel_loop3A_331 = arith.mulf %parallel_loop3A_228, %parallel_loop3A_312 : vector<16xf32>
          %parallel_loop3A_332 = arith.addf %parallel_loop3A_330, %parallel_loop3A_331 : vector<16xf32>
          %parallel_loop3A_333 = arith.constant 1.000000e+00 : f32
          %parallel_loop3A_334 = vector.broadcast %parallel_loop3A_333 : f32 to vector<16xf32>
          %parallel_loop3A_335 = arith.divf %parallel_loop3A_334, %parallel_loop3A_186 : vector<16xf32>
          %parallel_loop3A_336 = arith.mulf %parallel_loop3A_335, %parallel_loop3A_335 : vector<16xf32>
          %parallel_loop3A_337 = arith.mulf %parallel_loop3A_336, %parallel_loop3A_336 : vector<16xf32>
          %parallel_loop3A_338 = arith.constant 336 : index
          %parallel_loop3A_339 = tpu.vector_load %arg12[%parallel_loop3A_338] {strides = array<i32>} : memref<384xf32, #tpu.memory_space<vmem>>, vector<16xf32>,
          %parallel_loop3A_340 = arith.mulf %parallel_loop3A_339, %parallel_loop3A_337 : vector<16xf32>
          %parallel_loop3A_341 = arith.mulf %parallel_loop3A_317, %parallel_loop3A_340 : vector<16xf32>
          %parallel_loop3A_342 = arith.constant 0 : i32
          %parallel_loop3A_343 = arith.constant 0 : i32
          %parallel_loop3A_344 = arith.index_cast %parallel_loop3A_342 : i32 to index
          %parallel_loop3A_345 = arith.index_cast %parallel_loop3A_343 : i32 to index
          %parallel_loop3A_346 = arith.index_cast %parallel_loop3A_87 : i32 to index
          %parallel_loop3A_347 = tpu.vector_load %arg11[%parallel_loop3A_344, %parallel_loop3A_345, %parallel_loop3A_346] {strides = array<i32>} : memref<2x2x3200xf32, #tpu.memory_space<vmem>>, vector<16xf32>,
          tpu.vector_store %arg11[%parallel_loop3A_344, %parallel_loop3A_345, %parallel_loop3A_346], %parallel_loop3A_341 {strides = array<i32>} : memref<2x2x3200xf32, #tpu.memory_space<vmem>>, vector<16xf32>,
          %parallel_loop3A_348 = arith.constant 352 : index
          %parallel_loop3A_349 = tpu.vector_load %arg12[%parallel_loop3A_348] {strides = array<i32>} : memref<384xf32, #tpu.memory_space<vmem>>, vector<16xf32>,
          %parallel_loop3A_350 = arith.mulf %parallel_loop3A_349, %parallel_loop3A_337 : vector<16xf32>
          %parallel_loop3A_351 = arith.mulf %parallel_loop3A_322, %parallel_loop3A_350 : vector<16xf32>
          %parallel_loop3A_352 = arith.constant 0 : i32
          %parallel_loop3A_353 = arith.constant 1 : i32
          %parallel_loop3A_354 = arith.index_cast %parallel_loop3A_352 : i32 to index
          %parallel_loop3A_355 = arith.index_cast %parallel_loop3A_353 : i32 to index
          %parallel_loop3A_356 = arith.index_cast %parallel_loop3A_87 : i32 to index
          %parallel_loop3A_357 = tpu.vector_load %arg11[%parallel_loop3A_354, %parallel_loop3A_355, %parallel_loop3A_356] {strides = array<i32>} : memref<2x2x3200xf32, #tpu.memory_space<vmem>>, vector<16xf32>,
          tpu.vector_store %arg11[%parallel_loop3A_354, %parallel_loop3A_355, %parallel_loop3A_356], %parallel_loop3A_351 {strides = array<i32>} : memref<2x2x3200xf32, #tpu.memory_space<vmem>>, vector<16xf32>,
          %parallel_loop3A_358 = arith.constant 352 : index
          %parallel_loop3A_359 = tpu.vector_load %arg12[%parallel_loop3A_358] {strides = array<i32>} : memref<384xf32, #tpu.memory_space<vmem>>, vector<16xf32>,
          %parallel_loop3A_360 = arith.mulf %parallel_loop3A_359, %parallel_loop3A_337 : vector<16xf32>
          %parallel_loop3A_361 = arith.mulf %parallel_loop3A_327, %parallel_loop3A_360 : vector<16xf32>
          %parallel_loop3A_362 = arith.constant 1 : i32
          %parallel_loop3A_363 = arith.constant 0 : i32
          %parallel_loop3A_364 = arith.index_cast %parallel_loop3A_362 : i32 to index
          %parallel_loop3A_365 = arith.index_cast %parallel_loop3A_363 : i32 to index
          %parallel_loop3A_366 = arith.index_cast %parallel_loop3A_87 : i32 to index
          %parallel_loop3A_367 = tpu.vector_load %arg11[%parallel_loop3A_364, %parallel_loop3A_365, %parallel_loop3A_366] {strides = array<i32>} : memref<2x2x3200xf32, #tpu.memory_space<vmem>>, vector<16xf32>,
          tpu.vector_store %arg11[%parallel_loop3A_364, %parallel_loop3A_365, %parallel_loop3A_366], %parallel_loop3A_361 {strides = array<i32>} : memref<2x2x3200xf32, #tpu.memory_space<vmem>>, vector<16xf32>,
          %parallel_loop3A_368 = arith.constant 368 : index
          %parallel_loop3A_369 = tpu.vector_load %arg12[%parallel_loop3A_368] {strides = array<i32>} : memref<384xf32, #tpu.memory_space<vmem>>, vector<16xf32>,
          %parallel_loop3A_370 = arith.mulf %parallel_loop3A_369, %parallel_loop3A_337 : vector<16xf32>
          %parallel_loop3A_371 = arith.mulf %parallel_loop3A_332, %parallel_loop3A_370 : vector<16xf32>
          %parallel_loop3A_372 = arith.constant 1 : i32
          %parallel_loop3A_373 = arith.constant 1 : i32
          %parallel_loop3A_374 = arith.index_cast %parallel_loop3A_372 : i32 to index
          %parallel_loop3A_375 = arith.index_cast %parallel_loop3A_373 : i32 to index
          %parallel_loop3A_376 = arith.index_cast %parallel_loop3A_87 : i32 to index
          %parallel_loop3A_377 = tpu.vector_load %arg11[%parallel_loop3A_374, %parallel_loop3A_375, %parallel_loop3A_376] {strides = array<i32>} : memref<2x2x3200xf32, #tpu.memory_space<vmem>>, vector<16xf32>,
          tpu.vector_store %arg11[%parallel_loop3A_374, %parallel_loop3A_375, %parallel_loop3A_376], %parallel_loop3A_371 {strides = array<i32>} : memref<2x2x3200xf32, #tpu.memory_space<vmem>>, vector<16xf32>,
        } {sc.loop_unroll_factor = 8 : i64, sc.parallel_access}
        %mul3A_78 = arith.constant 3200 : i32
        %mul3A_79 = arith.muli %add3A_54, %mul3A_78 : i32
        %dma_start3A = arith.constant 0 : i32
        %dma_start3A_80 = arith.constant 0 : i32
        %dma_start3A_81 = tpu.memref_slice %arg5[%dma_start3A, %dma_start3A_80, %mul3A_79] : memref<2x2x2000000xf32, #tpu.memory_space<hbm>> -> memref<2x2x3200xf32, #tpu.memory_space<hbm>>
        %dma_start3A_82 = arith.constant 0 : i32
        %dma_start3A_83 = arith.constant 0 : i32
        %dma_start3A_84 = tpu.memref_slice %arg5[%dma_start3A_82, %dma_start3A_83, %mul3A_79] : memref<2x2x2000000xf32, #tpu.memory_space<hbm>> -> memref<2x2x3200xf32, #tpu.memory_space<hbm>>
        tpu.enqueue_dma source(%arg11 : memref<2x2x3200xf32, #tpu.memory_space<vmem>>) target(%dma_start3A_84 : memref<2x2x3200xf32, #tpu.memory_space<hbm>>) target_semaphore(%arg16 : memref<!tpu.dma_semaphore, #tpu.memory_space<semaphore_mem>>)
      } else {
      }
    }
    %scan3A_7 = arith.constant 10 : i32
    %add3A_8 = arith.constant 576 : i32
    %add3A_9 = arith.addi %add3A, %add3A_8 : i32
    %lt3A_10 = arith.constant 625 : i32
    %lt3A_11 = arith.cmpi slt, %add3A_9, %lt3A_10 : i32
    %convert_element_type3A_12 = arith.extui %lt3A_11 : i1 to i32
    %cond3A_13 = arith.constant 0 : i32
    %cond3A_14 = arith.cmpi ne, %convert_element_type3A_12, %cond3A_13 : i32
    scf.if %cond3A_14 {
      %mul3A_22 = arith.constant 3200 : i32
      %mul3A_23 = arith.muli %add3A_9, %mul3A_22 : i32
      %dma_wait3A = arith.constant 0 : i32
      %dma_wait3A_24 = arith.constant 0 : i32
      %dma_wait3A_25 = tpu.memref_slice %arg5[%dma_wait3A, %dma_wait3A_24, %mul3A_23] : memref<2x2x2000000xf32, #tpu.memory_space<hbm>> -> memref<2x2x3200xf32, #tpu.memory_space<hbm>>
      %dma_wait3A_26 = arith.constant 0 : i32
      %dma_wait3A_27 = arith.constant 0 : i32
      %dma_wait3A_28 = tpu.memref_slice %arg5[%dma_wait3A_26, %dma_wait3A_27, %mul3A_23] : memref<2x2x2000000xf32, #tpu.memory_space<hbm>> -> memref<2x2x3200xf32, #tpu.memory_space<hbm>>
      tpu.wait_dma2 semaphore(%arg15 : memref<!tpu.dma_semaphore, #tpu.memory_space<semaphore_mem>>) src(%arg10 : memref<2x2x3200xf32, #tpu.memory_space<vmem>>) dst(%dma_wait3A_28 : memref<2x2x3200xf32, #tpu.memory_space<hbm>>)
    } else {
    }
    %add3A_15 = arith.constant 608 : i32
    %add3A_16 = arith.addi %add3A, %add3A_15 : i32
    %lt3A_17 = arith.constant 625 : i32
    %lt3A_18 = arith.cmpi slt, %add3A_16, %lt3A_17 : i32
    %convert_element_type3A_19 = arith.extui %lt3A_18 : i1 to i32
    %cond3A_20 = arith.constant 0 : i32
    %cond3A_21 = arith.cmpi ne, %convert_element_type3A_19, %cond3A_20 : i32
    scf.if %cond3A_21 {
      %mul3A_22 = arith.constant 3200 : i32
      %mul3A_23 = arith.muli %add3A_16, %mul3A_22 : i32
      %dma_wait3A = arith.constant 0 : i32
      %dma_wait3A_24 = arith.constant 0 : i32
      %dma_wait3A_25 = tpu.memref_slice %arg5[%dma_wait3A, %dma_wait3A_24, %mul3A_23] : memref<2x2x2000000xf32, #tpu.memory_space<hbm>> -> memref<2x2x3200xf32, #tpu.memory_space<hbm>>
      %dma_wait3A_26 = arith.constant 0 : i32
      %dma_wait3A_27 = arith.constant 0 : i32
      %dma_wait3A_28 = tpu.memref_slice %arg5[%dma_wait3A_26, %dma_wait3A_27, %mul3A_23] : memref<2x2x2000000xf32, #tpu.memory_space<hbm>> -> memref<2x2x3200xf32, #tpu.memory_space<hbm>>
      tpu.wait_dma2 semaphore(%arg16 : memref<!tpu.dma_semaphore, #tpu.memory_space<semaphore_mem>>) src(%arg11 : memref<2x2x3200xf32, #tpu.memory_space<vmem>>) dst(%dma_wait3A_28 : memref<2x2x3200xf32, #tpu.memory_space<hbm>>)
    } else {
    }
    return
  }
}

</mosaic_0001>

<sc_bundles>
// kernel: kernel.3.cloned.1.call-start
scs
__scs_entry_jumppad:
0x0: {  	(pc) =	sbr.rel $0x88, $3  }
0x1: {  	(tag) =	ssettag $0x0;
	lr =	simm.s32 $0x1  }
0x2: {  	[smem:$0x3F9C] =	sst lr;
	_ =	strace $0xD0000000  }
0x3: {  	_ = 	snop  }
0x4: {  	_ = 	snop  }
0x5: {  	_ = 	snop  }
0x6: {  	_ = 	snop  }
0x7: {  	_ = 	snop  }
__scs_overlays_trampoline_lowered:
0x8: {  	[smem:$0x3FAB] =	sst s0  }
0x9: {  	[smem:$0x3FAC] =	sst s1  }
0xa: {  	[smem:$0x3FAD] =	sst s2  }
0xb: {  	[smem:$0x3FAE] =	sst s3  }
0xc: {  	[smem:$0x3FAF] =	sst s4  }
0xd: {  	[smem:$0x3FB0] =	sst s5  }
0xe: {  	[smem:$0x3FB1] =	sst s6  }
0xf: {  	[smem:$0x3FB2] =	sst s7  }
0x10: {  	[smem:$0x3FB3] =	sst s8  }
0x11: {  	[smem:$0x3FB4] =	sst s9;
	s0 =	simm.s32 @!p0 $0x0  }
0x12: {  	s1 =	sld [smem:$0x3F9A];
	s0 =	simm.s32 @p0 $0x1  }
0x13: {  	[smem:$0x3FB5] =	sst s0;
	s0 =	simm.s32 @!p1 $0x0  }
0x14: {  	s2 =	sld [smem:$0x3F99];
	s0 =	simm.s32 @p1 $0x1  }
0x15: {  	[smem:$0x3FB6] =	sst s0;
	s0 =	simm.s32 @!p2 $0x0  }
0x16: {  	s3 =	sld [smem:$0x3FDB];
	s0 =	simm.s32 @p2 $0x1  }
0x17: {  	s4 =	simm.s32 $0x1BF5;
	[smem:$0x3FB8] =	sst s0  }
0x18: {  	s0 =	sld [smem:$0x3F9B];
	_ =	swait.ge [sflag:s4], $0x0  }
0x19: {  	s7 =	sld [smem:$0x3F9C]  }
0x1a: {  	s8 =	sadd.s32 $0xFFFFE003, lr  }
0x1b: {  	s9 =	sadd.s32 $0xFFFFFEF7, lr;
	s5 =	simm.s32 $0xFFFFFFFF;
	p2 =	slt.u32 s8, $0xFFFFF086  }
0x1c: {  	p1 =	slt.u32 s9, $0xF7A;
	s5 =	simm.s32 @!p2 $0x0  }
0x1d: {  	s5 =	simm.s32 @p1 $0x1;
	p0 =	seq.s32 s7, s2  }
0x1e: {  	s7 =	smul.u32 @!p0 $0xF7A, s2;
	p2 =	seq.s32 @!p0 s5, $0x0  }
0x1f: {  	s9 =	smul.u32 $0xF7A, s1;
	s8 =	simm.s32 @!p0 $0x1BF5;
	p2 =	por !p2, p0  }
0x20: {  	[sflag:s8] =	ssyncset.s32 @!p0 $0xFFFFF086;
	s6 =	sadd.s32 @!p0 s3, s7;
	s7 =	simm.s32 @!p0 $0x108  }
0x21: {  	s3 =	sadd.s32 s3, s9;
	s6 =	sadd.s32 @!p0 $0x88, s6;
	s7 =	simm.s32 @p2 $0x1082  }
0x22: {  	[simem:s7], [sflag:s8] =	dma.local @!p0 [hbm:s6], $0xF7A  }
0x23: {  	s9 =	sor.u32 $0xD0000000, s2;
	s6 =	simm.s32 $0x108;
	_ =	swait.ge @!p0 [sflag:s8], $0x0  }
0x24: {  	s3 =	sadd.s32 $0x88, s3;
	s6 =	simm.s32 @!p1 $0x1082;
	[sflag:s4] =	ssyncset.s32 $0xFFFFF086  }
0x25: {  	[simem:s6], [sflag:s4] =	dma.local [hbm:s3], $0xF7A  }
0x26: {  	[smem:$0x3F9C] =	sst s1;
	(tag) =	ssettag s2;
	_ =	strace s9  }
0x27: {  	s1 =	sld [smem:$0x3FAC]  }
0x28: {  	s2 =	sld [smem:$0x3FAD]  }
0x29: {  	s4 =	sld [smem:$0x3FAF]  }
0x2a: {  	p0 =	seq.s32 s5, $0x0;
	s5 =	sld [smem:$0x3FB0]  }
0x2b: {  	s6 =	sld [smem:$0x3FB1]  }
0x2c: {  	s7 =	sld [smem:$0x3FB2]  }
0x2d: {  	s3 =	simm.s32 $0x108;
	s8 =	sld [smem:$0x3FB3]  }
0x2e: {  	s3 =	simm.s32 @!p0 $0x1082;
	s9 =	sld [smem:$0x3FB4]  }
0x2f: {  	lr =	sadd.s32 s0, s3;
	s0 =	sld [smem:$0x3FAB]  }
0x30: {  	s3 =	sld [smem:$0x3FAE]  }
0x31: {  	[smem:$0x3FB7] =	sst s10  }
0x32: {  	s10 =	sld [smem:$0x3FB5];
	_ =	sdelay $0x3  }
0x33: {  	p0 =	seq.s32 s10, $0x1;
	s10 =	sld [smem:$0x3FB7];
	_ =	sdelay $0x3  }
0x34: {  	[smem:$0x3FB7] =	sst s10  }
0x35: {  	s10 =	sld [smem:$0x3FB6];
	_ =	sdelay $0x3  }
0x36: {  	p1 =	seq.s32 s10, $0x1;
	s10 =	sld [smem:$0x3FB7];
	_ =	sdelay $0x3  }
0x37: {  	[smem:$0x3FB7] =	sst s10  }
0x38: {  	s10 =	sld [smem:$0x3FB8]  }
0x39: {  	_ = 	snop;
	(pc) =	sbr.ind lr, $3  }
0x3a: {  	_ = 	snop  }
0x3b: {  	_ = 	snop  }
0x3c: {  	p2 =	seq.s32 s10, $0x1;
	s10 =	sld [smem:$0x3FB7]  }
0x3d: {  	_ =	shalt  }
0x3e: {  	_ =	shalt  }
0x3f: {  	_ =	shalt  }
0x40: {  	_ =	shalt  }
0x41: {  	_ =	shalt  }
0x42: {  	_ =	shalt  }
0x43: {  	_ =	shalt  }
0x44: {  	_ =	shalt  }
0x45: {  	_ =	shalt  }
0x46: {  	_ =	shalt  }
0x47: {  	_ =	shalt  }
0x48: {  	_ =	shalt  }
0x49: {  	_ =	shalt  }
0x4a: {  	_ =	shalt  }
0x4b: {  	_ =	shalt  }
0x4c: {  	_ =	shalt  }
0x4d: {  	_ =	shalt  }
0x4e: {  	_ =	shalt  }
0x4f: {  	_ =	shalt  }
0x50: {  	_ =	shalt  }
0x51: {  	_ =	shalt  }
0x52: {  	_ =	shalt  }
0x53: {  	_ =	shalt  }
0x54: {  	_ =	shalt  }
0x55: {  	_ =	shalt  }
0x56: {  	_ =	shalt  }
0x57: {  	_ =	shalt  }
0x58: {  	_ =	shalt  }
0x59: {  	_ =	shalt  }
0x5a: {  	_ =	shalt  }
0x5b: {  	_ =	shalt  }
0x5c: {  	_ =	shalt  }
0x5d: {  	_ =	shalt  }
0x5e: {  	_ =	shalt  }
0x5f: {  	_ =	shalt  }
0x60: {  	_ =	shalt  }
0x61: {  	_ =	shalt  }
0x62: {  	_ =	shalt  }
0x63: {  	_ =	shalt  }
0x64: {  	_ =	shalt  }
0x65: {  	_ =	shalt  }
0x66: {  	_ =	shalt  }
0x67: {  	_ =	shalt  }
0x68: {  	_ =	shalt  }
0x69: {  	_ =	shalt  }
0x6a: {  	_ =	shalt  }
0x6b: {  	_ =	shalt  }
0x6c: {  	_ =	shalt  }
0x6d: {  	_ =	shalt  }
0x6e: {  	_ =	shalt  }
0x6f: {  	_ =	shalt  }
0x70: {  	_ =	shalt  }
0x71: {  	_ =	shalt  }
0x72: {  	_ =	shalt  }
0x73: {  	_ =	shalt  }
0x74: {  	_ =	shalt  }
0x75: {  	_ =	shalt  }
0x76: {  	_ =	shalt  }
0x77: {  	_ =	shalt  }
0x78: {  	_ =	shalt  }
0x79: {  	_ =	shalt  }
0x7a: {  	_ =	shalt  }
0x7b: {  	_ =	shalt  }
0x7c: {  	_ =	shalt  }
0x7d: {  	_ =	shalt  }
0x7e: {  	_ =	shalt  }
0x7f: {  	_ =	shalt  }
0x80: {  	_ =	shalt  }
0x81: {  	_ =	shalt  }
0x82: {  	_ =	shalt  }
0x83: {  	_ =	shalt  }
0x84: {  	_ =	shalt  }
0x85: {  	_ =	shalt  }
0x86: {  	_ =	shalt  }
0x87: {  	_ =	shalt  }
.Lfunc_end0:
.L_simem_size_0:
called_computation_lowered:
.L_overlay_start_0:
0x88: {  	s2 =	sld [smem:$0x3FD9]  }
0x89: {  	s3 =	sld [smem:$0x3FFE];
	_ =	sdelay $0x1  }
0x8a: {  	s1 =	srdreg.scid  }
0x8b: {  	s0 =	sand.u32 $0x1, s1  }
0x8c: {  	s17 =	sshll.u32 s0, $0xA;
	s2 =	sadd.s32 s3, s2  }
0x8d: {  	s2 =	sadd.s32 s2, s17  }
0x8e: {  	[smem:$0x3FC3] =	sst s2  }
0x8f: {  	_ = 	snop  }
0x90: {  	s2 =	sld [smem:$0x3FC9]  }
0x91: {  	s18 =	sld [smem:$0x3FC8]  }
0x92: {  	s4 =	sld [smem:$0x3FD0];
	(tm) =	ssettm $0x1  }
0x93: {  	s5 =	sld [smem:$0x3FFB];
	_ =	sdelay $0x3  }
0x94: {  	_ =	strace s5  }
0x95: {  	s5 =	sld [smem:$0x3FFC];
	_ =	sdelay $0x3  }
0x96: {  	_ =	strace s5  }
0x97: {  	s5 =	sld [smem:$0x3FFD];
	_ =	sdelay $0x3  }
0x98: {  	_ =	strace s5  }
0x99: {  	_ =	strace $0x8FFFFFFF  }
0x9a: {  	s19 =	sld [smem:$0x3FDB];
	_ =	sdelay $0x1  }
0x9b: {  	s6 =	simm.s32 $_scs_section_size  }
0x9c: {  	s7 =	simm.s32 $_size__tile_overlayer_lowered;
	s8 =	simm.s32 $_tile_overlayer_lowered  }
0x9d: {  	s22 =	simm.s32 $0x1BFF;
	s21 =	sshll.u32 s8, $0x1;
	s5 =	sadd.s32 s6, s19  }
0x9e: {  	s9 =	simm.s32 $0x0;
	s20 =	sshll.u32 s7, $0x1;
	s7 =	sadd.s32 s21, s5  }
0x9f: {  	[timem:s9], [sflag:s22] =	dma.local [hbm:s7], s20  }
0xa0: {  	_ =	swait.ge [sflag:s22], s20  }
0xa1: {  	s6 =	ssub.s32 $0x0, s20;
	[sflag:s22] =	ssyncset.done $0x0  }
0xa2: {  	[sflag:s22] =	ssyncadd.s32 s6;
	_ =	sdelay $0x1  }
0xa3: {  	s23 =	simm.s32 $0x1B8B  }
0xa4: {  	_ =	swait.ge [sflag:s23], $0x1  }
0xa5: {  	[sflag:s23] =	ssyncset.done $0x0  }
0xa6: {  	s25 =	simm.s32 $0x1B8E;
	s24 =	sld [smem:$0x3FFE];
	[sflag:s23] =	ssyncadd.s32 $0xFFFFFFFF  }
0xa7: {  	s26 =	simm.s32 $execute0_lowered;
	[smem:$0x3FD2] =	sst s25  }
0xa8: {  	s7 =	sshll.u32 s26, $0x1;
	_ =	strace $0x80000046;
	[dreg:$0x1] =	wrdreg $0xFFFFFFFF  }
0xa9: {  	s28 =	simm.s32 $_size_execute0_lowered;
	s5 =	sadd.s32 s5, s7;
	[dreg:$0x0] =	wrdreg $0x0  }
0xaa: {  	s7 =	sshll.u32 s28, $0x1;
	[dreg:$0x2] =	wrdreg s5  }
0xab: {  	[dreg:$0x3] =	wrdreg s7  }
0xac: {  	[dreg:$0x4] =	wrdreg $0xC0  }
0xad: {  	_ =	task [dreg:s9], $0x5FFFF  }
0xae: {  	[dreg:$0x1] =	wrdreg $0xFFFFFFFF  }
0xaf: {  	[dreg:$0x0] =	wrdreg $0x60  }
0xb0: {  	[dreg:$0x2] =	wrdreg s2  }
0xb1: {  	[dreg:$0x3] =	wrdreg s18  }
0xb2: {  	[dreg:$0x4] =	wrdreg s24  }
0xb3: {  	[dreg:$0x5] =	wrdreg s4  }
0xb4: {  	[dreg:$0x6] =	wrdreg $0x9  }
0xb5: {  	_ =	task.clear_ibuf [dreg:s9], $0x7FFFF;
	_ =	strace $0x90000046  }
0xb6: {  	s29 =	simm.s32 $0x9;
	_ =	strace $0x80000048  }
0xb7: {  	_ =	swait.ge [sflag:s29], $0x1  }
0xb8: {  	[sflag:s29] =	ssyncadd.s32 $0xFFFFFFFF  }
0xb9: {  	_ =	strace $0x90000048  }
0xba: {  	_ =	sfence  }
0xbb: {  	s30 =	sld [smem:$0x0];
	_ =	sdelay $0x2  }
0xbc: {  	s31 =	sshll.u32 s1, $0xD;
	s1 =	sshrl.u32 s1, $0x2  }
0xbd: {  	s3 =	sand.u32 $0x4000, s31;
	s1 =	sadd.s32 s1, s30  }
0xbe: {  	s0 =	sor.u32 s3, s0;
	s1 =	sshll.u32 s1, $0x11  }
0xbf: {  	s0 =	sor.u32 s1, s0  }
0xc0: {  	s0 =	sadd.s32 $0x8F2B, s0  }
0xc1: {  	[sflag:s0] =	ssyncadd.remote.s32 $0x1  }
0xc2: {  	_ =	sfence.sel $0xFFFF  }
0xc3: {  	[dreg:$0x0] =	wrdreg $0xFFFFFFFF;
	(pc) =	sbr.abs _section_cstart, $3  }
0xc4: {  	[dreg:$0x1] =	wrdreg $0xFFFFFFFF  }
0xc5: {  	_ =	task.clear_ibuf [dreg:s9], $0x2FFFF;
	_ =	strace $0x9FFFFFFF  }
0xc6: {  	(tm) =	ssettm $0x7FFFFFFF  }
0xc7: {  	_ =	shalt  }
tec
execute0_lowered:
.L_overlay_start_1:
0x0: {  	(tag) =	ssettag $0x1  }
0x1: {  	s0 =	rddreg [dreg:$0x0]  }
0x2: {  	s1 =	rddreg [dreg:$0x1]  }
0x3: {  	s4 =	rddreg [dreg:$0x2]  }
0x4: {  	s2 =	srdreg.scid;
	s5 =	rddreg [dreg:$0x3]  }
0x5: {  	s3 =	stileid.u32;
	s6 =	simm.s32 $0x0;
	s12 =	simm.s32 $0x1F400  }
0x6: {  	s13 =	simm.s32 $0x5;
	s14 =	simm.s32 $0x3200;
	s15 =	simm.s32 $0x7A1200  }
0x7: {  	s16 =	simm.s32 $0x6400;
	s17 =	simm.s32 $0x1;
	s18 =	simm.s32 $0x1900  }
0x8: {  	s19 =	simm.s32 $0x3D0900;
	s20 =	simm.s32 $0x19000;
	s21 =	simm.s32 $0x1C200  }
0x9: {  	s22 =	simm.s32 $0x3;
	s23 =	simm.s32 $0x0;
	s8 =	sand.u32 $0x1, s2  }
.Ltmp0:
0xa: {  	s2 =	rddreg [dreg:$0x4];
	s7 =	sshll.u32 s8, $0x4;
	(pc) =	sbr.rel .LBB2_1-.Ltmp0, $4  }
0xb: {  	[smem:$0x7FF] =	sst s6;
	s8 =	ssub.s32 $0x2, s8;
	s7 =	sor.u32 s3, s7  }
0xc: {  	_ =	strace $0x80000047;
	s10 =	sshrl.u32 s8, $0x1;
	s9 =	smul.u32 $0x640, s7  }
0xd: {  	s11 =	ssub.s32 s8, s10;
	s10 =	sor.u32 $0x40, s7;
	p0 =	sgt.u32 s7, $0x10  }
0xe: {  	s11 =	smax.u32 s11, $0x1;
	s8 =	sadd.s32 s0, s9;
	s9 =	sadd.s32 s1, s9  }
.LBB2_9:
0xf: {  	s23 =	sadd.s32 $0x1, s23  }
0x10: {  	_ =	swait.ge [sflag:s22], $0x3200;
	p1 =	sne.s32 s23, s11  }
.Ltmp1:
0x11: {  	[sflag:s22] =	ssyncset.done $0x0;
	(pc) =	sbr.rel @!p1 .LBB2_10-.Ltmp1, $4  }
0x12: {  	s24 =	simm.s32 @!p0 $0x4;
	[sflag:s22] =	ssyncadd.s32 $0xFFFFCE00  }
0x13: {  	_ =	swait.ge @!p0 [sflag:s24], $0x3200  }
0x14: {  	[sflag:s24] =	ssyncset.done @!p0 $0x0  }
0x15: {  	[sflag:s24] =	ssyncadd.s32 @!p0 $0xFFFFCE00  }
.LBB2_1:
0x16: {  	[tilespmem:s12], [sflag:$0x5] =	stream.linear.gather [hbm4b:s4+s6], $0x180, $0x38;
	[tilespmem:$0x1F580] =	vst v63  }
0x17: {  	_ =	swait.ge [sflag:s13], $0x180  }
.Ltmp2:
0x18: {  	[sflag:s13] =	ssyncset.done $0x0;
	(pc) =	sbr.rel .LBB2_2-.Ltmp2, $4  }
0x19: {  	[sflag:s13] =	ssyncadd.s32 $0xFFFFFE80  }
0x1a: {  	[tilespmem:s6], [sflag:$0x1] =	stream.linear.gather [hbm4b:s8+s6], $0x3200, $0x38;
	[tilespmem:$0x1F580] =	vst v63  }
0x1b: {  	s24 =	simm.s32 $0x0  }
0x1c: {  	[tilespmem:s16], [sflag:$0x1] =	stream.strided.gather [hbm4b:s9+s14], $0x9600, s15, s14, $0x38;
	[tilespmem:$0x1F580] =	vst v63  }
.LBB2_8:
0x1d: {  	s24 =	sadd.s32 $0x1, s24  }
0x1e: {  	p1 =	sne.s32 s24, $0xA  }
.Ltmp3:
0x1f: {  	_ = 	snop;
	(pc) =	sbr.rel @!p1 .LBB2_9-.Ltmp3, $1  }
0x20: {  	_ =	sdelay $0x3  }
.LBB2_2:
0x21: {  	s25 =	sshll.u32 s24, $0x6  }
0x22: {  	_ =	swait.ge [sflag:s17], $0x3200;
	s26 =	sor.u32 s7, s25  }
0x23: {  	[sflag:s17] =	ssyncset.done $0x0;
	s25 =	sor.u32 $0x20, s26  }
0x24: {  	[sflag:s17] =	ssyncadd.s32 $0xFFFFCE00;
	p1 =	sgt.u32 s25, $0x270  }
0x25: {  	_ =	swait.ge [sflag:s17], $0x9600;
	s28 =	smul.u32 @!p1 $0x640, s25  }
0x26: {  	p2 =	seq.s32 s24, $0x0;
	[sflag:s17] =	ssyncset.done $0x0;
	s30 =	simm.s32 @!p1 $0x0  }
0x27: {  	s31 =	simm.s32 @!p1 $0x3200;
	[sflag:s17] =	ssyncadd.s32 $0xFFFF6A00;
	s29 =	sadd.s32 @!p1 s0, s28  }
0x28: {  	[tilespmem:s31], [sflag:$0x2] =	stream.linear.gather @!p1 [hbm4b:s29+s30], $0x3200, $0x38;
	[tilespmem:$0x1F580] =	vst v63  }
0x29: {  	s28 =	sadd.s32 @!p1 s1, s28;
	s29 =	simm.s32 @!p1 $0x7A1200;
	s30 =	simm.s32 @!p1 $0xFA00  }
0x2a: {  	[tilespmem:s30], [sflag:$0x2] =	stream.strided.gather @!p1 [hbm4b:s28+s31], $0x9600, s29, s31, $0x38;
	[tilespmem:$0x1F580] =	vst v63  }
0x2b: {  	s28 =	simm.s32 @!p2 $0x3  }
0x2c: {  	_ =	swait.ge @!p2 [sflag:s28], $0x3200  }
0x2d: {  	s29 =	simm.s32 $0x1A9F0;
	[sflag:s28] =	ssyncset.done @!p2 $0x0  }
0x2e: {  	s30 =	simm.s32 $0x0;
	[sflag:s28] =	ssyncadd.s32 @!p2 $0xFFFFCE00;
	s28 =	simm.s32 $0xFFFFFFF8  }
.LBB2_3:
0x2f: {  	v46 =	vld [tilespmem:$0x1F400]  }
0x30: {  	v17 =	vld [tilespmem:$0x1F410]  }
0x31: {  	v16 =	vld [tilespmem:$0x1F420]  }
0x32: {  	v47 =	vld [tilespmem:$0x1F430]  }
0x33: {  	v49 =	vld [tilespmem:$0x1F440]  }
0x34: {  	s31 =	sshra.s32 s30, $0x2;
	v6 =	vld [tilespmem:$0x1F450]  }
0x35: {  	v1 =	vld [tilespmem:s31+$0x0]  }
0x36: {  	v2 =	vld [tilespmem:s31+$0x80]  }
0x37: {  	v4 =	vld [tilespmem:$0x1F460]  }
0x38: {  	v3 =	vld [tilespmem:s31+$0x100]  }
0x39: {  	v0 =	vld [tilespmem:$0x1F470]  }
0x3a: {  	v48 =	vld [tilespmem:$0x1F480]  }
0x3b: {  	v19 =	vld [tilespmem:$0x1F490];
	v8 =	vshrl.u32 v1, $0x10;
	v9 =	vshrl.u32 v2, $0x10  }
0x3c: {  	v18 =	vld [tilespmem:$0x1F4A0];
	v8 =	vand.u32 $0x1, v8;
	v10 =	vand.u32 $0x1, v9  }
0x3d: {  	v43 =	vld [tilespmem:$0x1F4B0];
	v12 =	vshrl.u32 v3, $0x10;
	v1 =	vadd.s32 v8, v1;
	v2 =	vadd.s32 v10, v2  }
0x3e: {  	v7 =	vld [tilespmem:$0x1F4C0];
	v45 =	vand.u32 $0x1, v12;
	v44 =	vadd.s32 $0x7FFF, v1;
	v2 =	vadd.s32 $0x7FFF, v2  }
0x3f: {  	v15 =	vld [tilespmem:$0x1F4E0];
	v3 =	vadd.s32 v45, v3;
	v14 =	vand.u32 $0xFFFF0000, v44;
	v20 =	vand.u32 $0xFFFF0000, v2  }
0x40: {  	v50 =	vld [tilespmem:$0x1F520];
	v3 =	vadd.s32 $0x7FFF, v3;
	v13 =	vmul.f32 v14, v46;
	v21 =	vmul.f32 v20, v17  }
0x41: {  	v52 =	vld [tilespmem:s31+$0x6400];
	v24 =	vand.u32 $0xFFFF0000, v3;
	v22 =	vmul.f32 v14, v48;
	v23 =	vmul.f32 v20, v19  }
0x42: {  	v27 =	vld [tilespmem:s31+$0x6480];
	v25 =	vmul.f32 v24, v16  }
0x43: {  	v28 =	vld [tilespmem:s31+$0x6500];
	v51 =	vmul.f32 v24, v18;
	v21 =	vadd.f32 v21, v13;
	v22 =	vadd.f32 v23, v22  }
0x44: {  	v12 =	vld [tilespmem:$0x1F510];
	v26 =	vmul.f32 v14, v49;
	v20 =	vmul.f32 v20, v6  }
0x45: {  	v1 =	vld [tilespmem:$0x1F4F0];
	v21 =	vadd.f32 v25, v21;
	v22 =	vadd.f32 v51, v22  }
0x46: {  	v8 =	vld [tilespmem:$0x1F4D0];
	v20 =	vadd.f32 v20, v26  }
0x47: {  	v3 =	vld [tilespmem:$0x1F540];
	v24 =	vmul.f32 v24, v4;
	v21 =	vadd.f32 v21, v47;
	v22 =	vadd.f32 v22, v43  }
0x48: {  	v53 =	vld [tilespmem:s31+$0x9600]  }
0x49: {  	v14 =	vld [tilespmem:$0x1F500];
	v20 =	vadd.f32 v24, v20;
	v54 =	vmul.f32 v22, v7;
	v55 =	vmul.f32 v15, v21  }
0x4a: {  	v29 =	vld [tilespmem:s31+$0x9680];
	v30 =	vmul.f32 v1, v22;
	v31 =	vmul.f32 v12, v21  }
0x4b: {  	v32 =	vld [tilespmem:s31+$0x9700];
	v20 =	vadd.f32 v20, v0;
	v56 =	vmul.f32 v50, v22;
	(erf) = vrcp.f32 v22  }
0x4c: {  	v34 =	vld [tilespmem:s31+$0xC800];
	v57 =	vmul.f32 v3, v21;
	v58 =	vmul.f32 v8, v22  }
0x4d: {  	v35 =	vld [tilespmem:s31+$0xC880];
	v36 =	vmul.f32 v15, v20;
	v33 =	vadd.f32 v55, v54;
	v30 =	vadd.f32 v31, v30  }
0x4e: {  	v37 =	vmul.f32 v14, v22;
	v44 =	vmul.f32 v12, v20  }
0x4f: {  	v39 =	vld [tilespmem:s31+$0xC900];
	v38 =	vadd.f32 v57, v56;
	v59 =	vmul.f32 v52, v33;
	v60 =	vmul.f32 v27, v30  }
0x50: {  	v40 =	vmul.f32 v53, v33;
	v41 =	vmul.f32 v29, v30  }
0x51: {  	v61 =	vmul.f32 v28, v38;
	v42 =	vmul.f32 v32, v38;
	v25 =	vadd.f32 v60, v59  }
0x52: {  	v10 =	vmovc v43;
	v21 =	vld [tilespmem:$0x1F530];
	v62 =	vmul.f32 v34, v33;
	v43 =	vmul.f32 v35, v30;
	v40 =	vadd.f32 v41, v40  }
0x53: {  	v5 =	vmul.f32 v3, v20;
	v31 =	vadd.f32 v58, v36;
	v45 =	vadd.f32 v61, v25  }
0x54: {  	v2 =	vmul.f32 v39, v38;
	v63 =	vadd.f32 v43, v62;
	v40 =	vadd.f32 v42, v40  }
0x55: {  	v58 =	vld [tilespmem:$0x1F550];
	v37 =	vadd.f32 v37, v44;
	v23 =	vmul.f32 v52, v31;
	v13 =	vpop (erf);
	v11 =	vmul.f32 v45, v33  }
0x56: {  	v43 =	vadd.f32 v2, v63;
	v20 =	vmul.f32 v40, v30;
	v42 =	vmul.f32 v13, v13  }
0x57: {  	v27 =	vmul.f32 v27, v37;
	v22 =	vmul.f32 v21, v22  }
0x58: {  	v9 =	vmovc v50;
	v50 =	vmul.f32 v43, v38;
	v44 =	vadd.f32 v20, v11;
	v26 =	vmul.f32 v42, v42  }
0x59: {  	v24 =	vmul.f32 v53, v31;
	v29 =	vmul.f32 v29, v37;
	v25 =	vadd.f32 v22, v5  }
0x5a: {  	v53 =	vmul.f32 v34, v31;
	v22 =	vadd.f32 v50, v44;
	v51 =	vmul.f32 v58, v26  }
0x5b: {  	v54 =	vmul.f32 v35, v37;
	v23 =	vadd.f32 v27, v23;
	v28 =	vmul.f32 v28, v25  }
0x5c: {  	v24 =	vadd.f32 v29, v24;
	v59 =	vld [tilespmem:s31+$0x10];
	v52 =	vmul.f32 v32, v25;
	v22 =	vmul.f32 v22, v51  }
0x5d: {  	v55 =	vadd.f32 v54, v53;
	v62 =	vld [tilespmem:s31+$0x90]  }
0x5e: {  	v2 =	vld [tilespmem:s31+$0x110];
	v56 =	vmul.f32 v39, v25;
	v23 =	vadd.f32 v28, v23;
	v24 =	vadd.f32 v52, v24;
	[tilespmem:s29+$0xFFFFE610] =	vst v22  }
0x5f: {  	v57 =	vld [tilespmem:$0x1F560]  }
0x60: {  	v28 =	vadd.f32 v56, v55;
	v60 =	vmul.f32 v23, v33;
	v61 =	vmul.f32 v24, v30  }
0x61: {  	v5 =	vmul.f32 v45, v31;
	v13 =	vshrl.u32 v59, $0x10  }
0x62: {  	v20 =	vshrl.u32 v62, $0x10;
	v63 =	vmul.f32 v28, v38;
	v22 =	vadd.f32 v61, v60  }
0x63: {  	v11 =	vmul.f32 v40, v37;
	v39 =	vand.u32 $0x1, v20;
	v41 =	vshrl.u32 v2, $0x10  }
0x64: {  	v38 =	vand.u32 $0x1, v13;
	v22 =	vadd.f32 v63, v22;
	v29 =	vmul.f32 v57, v26  }
0x65: {  	v27 =	vadd.f32 v11, v5;
	v30 =	vadd.s32 v39, v62;
	v40 =	vadd.s32 v38, v59  }
0x66: {  	v30 =	vadd.s32 $0x7FFF, v30;
	v22 =	vmul.f32 v29, v22;
	v29 =	vadd.s32 $0x7FFF, v40  }
0x67: {  	v32 =	vand.u32 $0x1, v41;
	v30 =	vand.u32 $0xFFFF0000, v30;
	v29 =	vand.u32 $0xFFFF0000, v29  }
0x68: {  	v42 =	vadd.s32 v32, v2;
	v45 =	vmul.f32 v30, v17;
	[tilespmem:s29+$0xFFFFE690] =	vst v22;
	v44 =	vmul.f32 v29, v46  }
0x69: {  	v13 =	vmovc v46;
	v11 =	vmovc v48;
	v50 =	vmul.f32 v30, v19;
	v22 =	vadd.s32 $0x7FFF, v42;
	v48 =	vmul.f32 v29, v48;
	v46 =	vld [tilespmem:$0x1F560]  }
0x6a: {  	v51 =	vmul.f32 v43, v25;
	v22 =	vand.u32 $0xFFFF0000, v22;
	v32 =	vadd.f32 v45, v44  }
0x6b: {  	v52 =	vmul.f32 v22, v16;
	v35 =	vadd.f32 v50, v48;
	v53 =	vmul.f32 v22, v18  }
0x6c: {  	v30 =	vmul.f32 v30, v6;
	v27 =	vadd.f32 v51, v27;
	v29 =	vmul.f32 v29, v49  }
0x6d: {  	v56 =	vmul.f32 v23, v31;
	v32 =	vadd.f32 v52, v32;
	v54 =	vadd.f32 v53, v35  }
0x6e: {  	v29 =	vadd.f32 v30, v29;
	v55 =	vmul.f32 v22, v4;
	v34 =	vmul.f32 v46, v26  }
0x6f: {  	v41 =	vld [tilespmem:s31+$0x6490];
	v28 =	vmul.f32 v28, v25;
	v59 =	vadd.f32 v32, v47;
	v32 =	vadd.f32 v54, v10  }
0x70: {  	v60 =	vmul.f32 v24, v37;
	v37 =	vld [tilespmem:s31+$0x9610];
	v61 =	vadd.f32 v55, v29;
	v35 =	vmul.f32 v34, v27  }
0x71: {  	[tilespmem:$0x1FE90] =	vst v1;
	v40 =	vld [tilespmem:s31+$0x6410];
	v62 =	vmul.f32 v32, v7;
	v63 =	vmul.f32 v59, v15  }
0x72: {  	v2 =	vmovc v1;
	v42 =	vld [tilespmem:s31+$0x9690];
	v24 =	vadd.f32 v61, v0;
	v33 =	vmul.f32 v32, v1;
	v1 =	vmul.f32 v59, v12  }
0x73: {  	v22 =	vld [tilespmem:s31+$0x9710];
	v5 =	vmul.f32 v32, v9;
	v31 =	vmul.f32 v59, v3  }
0x74: {  	v44 =	vld [tilespmem:s31+$0xC810];
	v23 =	vmul.f32 v32, v8;
	v48 =	vmul.f32 v24, v15  }
0x75: {  	v57 =	vmovc v49;
	v45 =	vld [tilespmem:s31+$0xC890];
	v49 =	vmul.f32 v32, v14;
	v50 =	vmul.f32 v24, v12;
	v30 =	vadd.f32 v63, v62  }
0x76: {  	v46 =	vld [tilespmem:s31+$0xC910];
	v53 =	vmul.f32 v32, v21;
	v24 =	vmul.f32 v24, v3;
	v36 =	vadd.f32 v1, v33  }
0x77: {  	(erf) = vrcp.f32 v32;
	v38 =	vadd.f32 v31, v5;
	v51 =	vmul.f32 v30, v40  }
0x78: {  	[tilespmem:$0x1FEA0] =	vst v56;
	v27 =	vld [tilespmem:s31+$0x6510];
	v52 =	vmul.f32 v36, v41;
	v56 =	vmul.f32 v30, v37  }
0x79: {  	[tilespmem:$0x1FEB0] =	vst v60;
	v61 =	vld [tilespmem:s31+$0x20];
	v34 =	vadd.f32 v48, v23;
	v59 =	vmul.f32 v36, v42;
	v60 =	vmul.f32 v38, v22  }
0x7a: {  	v33 =	vadd.f32 v50, v49;
	v62 =	vmul.f32 v30, v44;
	v50 =	vmul.f32 v36, v45  }
0x7b: {  	v24 =	vadd.f32 v24, v53;
	v63 =	vmul.f32 v38, v46;
	v37 =	vmul.f32 v34, v37  }
0x7c: {  	v5 =	vld [tilespmem:s31+$0x120];
	v44 =	vmul.f32 v34, v44;
	v45 =	vmul.f32 v33, v45  }
0x7d: {  	v46 =	vmul.f32 v24, v46;
	v55 =	vmul.f32 v38, v27;
	v54 =	vadd.f32 v52, v51;
	v51 =	vld [tilespmem:s31+$0xA0]  }
0x7e: {  	v29 =	vadd.f32 v59, v56;
	v52 =	vmul.f32 v34, v40;
	v56 =	vshrl.u32 v61, $0x10  }
0x7f: {  	v31 =	vadd.f32 v50, v62;
	v50 =	vmul.f32 v33, v41;
	v43 =	vand.u32 $0x1, v56  }
0x80: {  	v39 =	vadd.f32 v54, v55;
	v41 =	vadd.f32 v29, v60;
	v29 =	vmul.f32 v24, v27  }
0x81: {  	v40 =	vadd.f32 v31, v63;
	v31 =	vmul.f32 v33, v42;
	v43 =	vadd.s32 v43, v61  }
0x82: {  	v60 =	vshrl.u32 v5, $0x10;
	v43 =	vadd.s32 $0x7FFF, v43;
	v59 =	vshrl.u32 v51, $0x10  }
0x83: {  	[tilespmem:$0x1FE70] =	vst v47;
	v20 =	vmovc v47;
	v1 =	vmovc v14;
	v49 =	vand.u32 $0x1, v60;
	v14 =	vmul.f32 v39, v30;
	v47 =	vand.u32 $0x1, v59  }
0x84: {  	v48 =	vmul.f32 v41, v36;
	v32 =	vadd.s32 v49, v5;
	v47 =	vadd.s32 v47, v51  }
0x85: {  	v43 =	vand.u32 $0xFFFF0000, v43;
	v32 =	vadd.s32 $0x7FFF, v32;
	v47 =	vadd.s32 $0x7FFF, v47  }
0x86: {  	v61 =	vmul.f32 v43, v13;
	v54 =	vmul.f32 v43, v11;
	v47 =	vand.u32 $0xFFFF0000, v47  }
0x87: {  	v53 =	vpop (erf);
	v32 =	vand.u32 $0xFFFF0000, v32;
	v62 =	vmul.f32 v47, v17;
	v55 =	vmul.f32 v47, v19  }
0x88: {  	v50 =	vadd.f32 v50, v52;
	v53 =	vmul.f32 v53, v53;
	v63 =	vmul.f32 v32, v16  }
0x89: {  	[tilespmem:$0x1FE80] =	vst v7;
	v5 =	vmul.f32 v32, v18;
	v49 =	vadd.f32 v62, v61;
	v54 =	vadd.f32 v55, v54  }
0x8a: {  	[tilespmem:$0x1FED0] =	vst v6;
	v50 =	vadd.f32 v50, v29;
	v43 =	vmul.f32 v43, v57;
	v47 =	vmul.f32 v47, v6  }
0x8b: {  	[tilespmem:$0x1FEE0] =	vst v4;
	v42 =	vmul.f32 v24, v22;
	v49 =	vadd.f32 v63, v49;
	v59 =	vadd.f32 v5, v54  }
0x8c: {  	v23 =	vmovc v11;
	v48 =	vadd.f32 v48, v14;
	v27 =	vmul.f32 v53, v53;
	v43 =	vadd.f32 v47, v43  }
0x8d: {  	v56 =	vmul.f32 v40, v38;
	v11 =	vmovc v57;
	v57 =	vld [tilespmem:s31+$0x96A0];
	v49 =	vadd.f32 v49, v20;
	v47 =	vadd.f32 v59, v10  }
0x8e: {  	[tilespmem:$0x1FF00] =	vst v0;
	v31 =	vadd.f32 v31, v37;
	v32 =	vmul.f32 v32, v4;
	v51 =	vld [tilespmem:s31+$0x64A0];
	v53 =	vmul.f32 v27, v58  }
0x8f: {  	[tilespmem:$0x1FF10] =	vst v9;
	v48 =	vadd.f32 v48, v56;
	v54 =	vld [tilespmem:s31+$0x6420];
	v60 =	vmul.f32 v47, v7;
	v61 =	vmul.f32 v49, v15  }
0x90: {  	[tilespmem:$0x1FEC0] =	vst v13;
	v42 =	vadd.f32 v31, v42;
	v55 =	vld [tilespmem:s31+$0x9620];
	v62 =	vmul.f32 v47, v2;
	v63 =	vmul.f32 v49, v12  }
0x91: {  	v22 =	vmovc v13;
	v13 =	vmovc v4;
	v48 =	vmul.f32 v48, v53;
	v53 =	vld [tilespmem:s31+$0x9720];
	v32 =	vadd.f32 v32, v43;
	(erf) = vrcp.f32 v47  }
0x92: {  	v4 =	vmovc v0;
	v2 =	vmul.f32 v49, v3;
	v49 =	vld [tilespmem:s31+$0xC820];
	v43 =	vadd.f32 v61, v60;
	v56 =	vadd.f32 v63, v62  }
0x93: {  	v52 =	vld [tilespmem:s31+$0x6520];
	v5 =	vmovc v58;
	v58 =	vadd.f32 v32, v0;
	v0 =	vmul.f32 v47, v9;
	v37 =	vmul.f32 v47, v8  }
0x94: {  	v14 =	vmovc v6;
	v6 =	vmovc v9;
	v7 =	vmov v8;
	v60 =	vld [tilespmem:s31+$0xC8A0];
	v8 =	vmul.f32 v43, v54;
	v9 =	vmul.f32 v56, v51  }
0x95: {  	v61 =	vadd.f32 v2, v0;
	v62 =	vld [tilespmem:s31+$0xC920];
	v20 =	vmul.f32 v43, v55;
	v63 =	vmul.f32 v56, v57  }
0x96: {  	v36 =	vmul.f32 v42, v36;
	v59 =	vmul.f32 v58, v15;
	v32 =	vadd.f32 v9, v8  }
0x97: {  	v31 =	vadd.f32 v63, v20;
	v9 =	vmul.f32 v61, v53;
	v20 =	vmul.f32 v43, v49  }
0x98: {  	v29 =	vadd.f32 v59, v37;
	v37 =	vmul.f32 v58, v12;
	v8 =	vmul.f32 v61, v52  }
0x99: {  	v0 =	vmul.f32 v56, v60;
	v63 =	vadd.f32 v31, v9;
	v31 =	vmul.f32 v47, v1  }
0x9a: {  	v2 =	vadd.f32 v32, v8;
	v47 =	vmul.f32 v47, v21;
	v9 =	vmul.f32 v61, v62  }
0x9b: {  	v59 =	vadd.f32 v0, v20;
	v20 =	vpop (erf);
	v32 =	vadd.f32 v37, v31;
	v31 =	vmul.f32 v58, v3  }
0x9c: {  	v58 =	vmul.f32 v29, v55;
	v0 =	vmul.f32 v20, v20  }
0x9d: {  	v8 =	vmovc v1;
	v1 =	vadd.f32 v59, v9;
	v9 =	vmul.f32 v2, v43;
	v20 =	vmul.f32 v63, v56  }
0x9e: {  	v31 =	vadd.f32 v31, v47;
	v47 =	vmul.f32 v50, v30;
	v51 =	vmul.f32 v32, v51  }
0x9f: {  	v59 =	vmul.f32 v32, v57;
	v37 =	vadd.f32 v20, v9;
	v9 =	vmul.f32 v1, v61  }
0xa0: {  	v44 =	vadd.f32 v45, v44;
	v30 =	vmul.f32 v0, v0;
	v20 =	vmul.f32 v29, v54  }
0xa1: {  	v57 =	vmul.f32 v29, v49;
	v52 =	vmul.f32 v31, v52;
	v0 =	vadd.f32 v37, v9  }
0xa2: {  	v54 =	vmul.f32 v30, v5;
	v37 =	vadd.f32 v44, v46;
	v9 =	vadd.f32 v51, v20  }
0xa3: {  	[tilespmem:s29+$0xFFFFE620] =	vst v48;
	v20 =	vmul.f32 v31, v53;
	v44 =	vadd.f32 v59, v58;
	v58 =	vmul.f32 v32, v60  }
0xa4: {  	[tilespmem:s29+$0xFFFFFF10] =	vst v35;
	v60 =	vld [tilespmem:$0x1F560];
	v0 =	vmul.f32 v0, v54;
	v59 =	vmul.f32 v37, v38;
	v35 =	vadd.f32 v9, v52  }
0xa5: {  	v51 =	vld [tilespmem:$0x1F570];
	v38 =	vadd.f32 v44, v20;
	v9 =	vadd.f32 v58, v57;
	v20 =	vmul.f32 v31, v62  }
0xa6: {  	v41 =	vmul.f32 v41, v33;
	v40 =	vmul.f32 v40, v24;
	v36 =	vadd.f32 v36, v47;
	v57 =	vld [tilespmem:s31+$0xB0]  }
0xa7: {  	v33 =	vmul.f32 v42, v33;
	v52 =	vmul.f32 v39, v34;
	v54 =	vld [tilespmem:s31+$0x30];
	[tilespmem:s29+$0xFFFFE630] =	vst v0;
	v39 =	vadd.f32 v9, v20  }
0xa8: {  	v55 =	vmul.f32 v35, v43;
	v56 =	vmul.f32 v38, v56;
	v36 =	vadd.f32 v36, v59;
	v48 =	vld [tilespmem:$0x1F560]  }
0xa9: {  	v41 =	vadd.f32 v41, v52;
	v58 =	vmul.f32 v27, v60;
	v59 =	vmul.f32 v39, v61;
	v61 =	vld [tilespmem:s31+$0x130]  }
0xaa: {  	v34 =	vmul.f32 v50, v34;
	v25 =	vmul.f32 v51, v26;
	v0 =	vadd.f32 v56, v55  }
0xab: {  	v60 =	vadd.f32 v41, v40;
	v36 =	vmul.f32 v36, v58;
	v20 =	vshrl.u32 v57, $0x10  }
0xac: {  	v9 =	vshrl.u32 v54, $0x10;
	v0 =	vadd.f32 v0, v59;
	v49 =	vand.u32 $0x1, v20  }
0xad: {  	v51 =	vadd.s32 v49, v57;
	v62 =	vmul.f32 v30, v48;
	v48 =	vand.u32 $0x1, v9  }
0xae: {  	[tilespmem:s29+$0xFFFFE6A0] =	vst v36;
	v41 =	vadd.s32 $0x7FFF, v51;
	v36 =	vadd.s32 v48, v54;
	v52 =	vshrl.u32 v61, $0x10  }
0xaf: {  	v41 =	vand.u32 $0xFFFF0000, v41;
	v36 =	vadd.s32 $0x7FFF, v36;
	v42 =	vand.u32 $0x1, v52  }
0xb0: {  	v0 =	vmul.f32 v0, v62;
	v36 =	vand.u32 $0xFFFF0000, v36;
	v40 =	vadd.s32 v42, v61  }
0xb1: {  	v50 =	vld [tilespmem:$0x1F560];
	v54 =	vmul.f32 v41, v17;
	v53 =	vmul.f32 v36, v22;
	v40 =	vadd.s32 $0x7FFF, v40  }
0xb2: {  	v56 =	vmul.f32 v41, v19;
	v55 =	vmul.f32 v36, v23;
	v57 =	vand.u32 $0xFFFF0000, v40  }
0xb3: {  	[tilespmem:s29+$0xFFFFE6B0] =	vst v0;
	v22 =	vmul.f32 v63, v32;
	v63 =	vld [tilespmem:$0x1FE80];
	v58 =	vadd.f32 v54, v53;
	v61 =	vmul.f32 v57, v16  }
0xb4: {  	v59 =	vld [tilespmem:$0x1F560];
	v45 =	vadd.f32 v56, v55;
	v62 =	vmul.f32 v57, v18  }
0xb5: {  	v41 =	vmul.f32 v41, v14;
	v36 =	vmul.f32 v36, v11;
	v40 =	vadd.f32 v61, v58;
	v61 =	vld [tilespmem:$0x1FE70]  }
0xb6: {  	v43 =	vmul.f32 v50, v27;
	v20 =	vadd.f32 v62, v45  }
0xb7: {  	v2 =	vmul.f32 v2, v29;
	v47 =	vld [tilespmem:s31+$0x9630];
	v36 =	vadd.f32 v41, v36;
	v0 =	vmul.f32 v57, v13  }
0xb8: {  	v1 =	vmul.f32 v1, v31;
	v26 =	vmul.f32 v60, v43;
	v62 =	vld [tilespmem:$0x1FE90];
	v43 =	vadd.f32 v20, v10  }
0xb9: {  	v46 =	vld [tilespmem:s31+$0x6530];
	v24 =	vmul.f32 v37, v24;
	v29 =	vmul.f32 v35, v29;
	v0 =	vadd.f32 v0, v36  }
0xba: {  	v44 =	vld [tilespmem:s31+$0x6430];
	v9 =	vmovc v23;
	v42 =	vmul.f32 v59, v30;
	v23 =	vmul.f32 v43, v63;
	v40 =	vadd.f32 v40, v61  }
0xbb: {  	v49 =	vld [tilespmem:s31+$0x96B0];
	v2 =	vadd.f32 v22, v2;
	v59 =	vmul.f32 v43, v6;
	(erf) = vrcp.f32 v43  }
0xbc: {  	v41 =	vld [tilespmem:s31+$0x64B0];
	v0 =	vadd.f32 v0, v4;
	v51 =	vmul.f32 v43, v7;
	v56 =	vmul.f32 v40, v15  }
0xbd: {  	v53 =	vld [tilespmem:s31+$0xC830];
	v1 =	vadd.f32 v2, v1;
	v57 =	vmul.f32 v43, v62;
	v58 =	vmul.f32 v40, v12  }
0xbe: {  	v54 =	vld [tilespmem:s31+$0xC8B0];
	v45 =	vmul.f32 v0, v15;
	v40 =	vmul.f32 v40, v3;
	v48 =	vadd.f32 v56, v23  }
0xbf: {  	v52 =	vld [tilespmem:s31+$0x9730];
	v55 =	vmul.f32 v43, v8;
	v1 =	vmul.f32 v1, v42;
	v50 =	vadd.f32 v58, v57  }
0xc0: {  	v40 =	vadd.f32 v40, v59;
	v23 =	vmul.f32 v0, v12;
	v60 =	vmul.f32 v48, v44  }
0xc1: {  	v4 =	vmov v7;
	v56 =	vld [tilespmem:s31+$0xC930];
	v6 =	vmul.f32 v50, v41;
	v7 =	vmul.f32 v48, v47  }
0xc2: {  	[tilespmem:$0x1FEF0] =	vst v10;
	v14 =	vmov v8;
	v8 =	vmul.f32 v50, v49;
	v10 =	vmul.f32 v40, v46  }
0xc3: {  	v33 =	vadd.f32 v33, v34;
	v20 =	vmul.f32 v48, v53;
	v22 =	vmul.f32 v50, v54  }
0xc4: {  	v13 =	vmul.f32 v40, v52;
	v36 =	vadd.f32 v6, v60;
	v2 =	vadd.f32 v8, v7  }
0xc5: {  	v43 =	vmul.f32 v43, v21;
	v42 =	vadd.f32 v23, v55;
	v23 =	vld [tilespmem:$0x1FEB0];
	v58 =	vadd.f32 v22, v20  }
0xc6: {  	v22 =	vld [tilespmem:$0x1FEA0];
	v6 =	vmul.f32 v40, v56;
	v57 =	vadd.f32 v36, v10;
	v2 =	vadd.f32 v2, v13;
	v8 =	vpop (erf)  }
0xc7: {  	v45 =	vadd.f32 v45, v51;
	v0 =	vmul.f32 v0, v3;
	v60 =	vmul.f32 v8, v8  }
0xc8: {  	v58 =	vadd.f32 v58, v6;
	v7 =	vmul.f32 v57, v48;
	v10 =	vmul.f32 v2, v50  }
0xc9: {  	v59 =	vmul.f32 v45, v44;
	v0 =	vadd.f32 v0, v43;
	v41 =	vmul.f32 v42, v41  }
0xca: {  	v13 =	vmul.f32 v58, v40;
	v36 =	vmul.f32 v60, v60;
	v43 =	vadd.f32 v10, v7  }
0xcb: {  	[tilespmem:s29+$0xFFFFFF20] =	vst v26;
	v8 =	vmul.f32 v42, v49;
	v55 =	vadd.f32 v23, v22;
	v60 =	vmul.f32 v0, v46  }
0xcc: {  	v49 =	vld [tilespmem:$0x1F570];
	v7 =	vmul.f32 v45, v47;
	v6 =	vmul.f32 v36, v5;
	v43 =	vadd.f32 v43, v13  }
0xcd: {  	[tilespmem:s29+$0xFFFFFF30] =	vst v1;
	v23 =	vadd.f32 v41, v59;
	v10 =	vmul.f32 v0, v52;
	v52 =	vmul.f32 v45, v53  }
0xce: {  	v53 =	vmul.f32 v42, v54;
	v54 =	vld [tilespmem:$0x1F570];
	v51 =	vadd.f32 v8, v7;
	v13 =	vmul.f32 v43, v6  }
0xcf: {  	v32 =	vmul.f32 v38, v32;
	v22 =	vadd.f32 v28, v55;
	v37 =	vadd.f32 v23, v60;
	v23 =	vld [tilespmem:s31+$0xC0]  }
0xd0: {  	v59 =	vmul.f32 v0, v56;
	v55 =	vadd.f32 v53, v52;
	v8 =	vld [tilespmem:s31+$0x40];
	v1 =	vadd.f32 v51, v10;
	[tilespmem:s29+$0xFFFFE640] =	vst v13  }
0xd1: {  	v31 =	vmul.f32 v39, v31;
	v29 =	vadd.f32 v32, v29;
	v27 =	vmul.f32 v49, v27;
	v60 =	vld [tilespmem:$0x1F560]  }
0xd2: {  	v49 =	vld [tilespmem:s31+$0x140];
	v26 =	vadd.f32 v55, v59;
	v10 =	vmul.f32 v37, v48;
	v13 =	vmul.f32 v1, v50  }
0xd3: {  	v46 =	vadd.f32 v29, v31;
	v32 =	vmul.f32 v25, v22;
	v47 =	vmul.f32 v54, v30  }
0xd4: {  	v43 =	vmul.f32 v26, v40;
	v52 =	vshrl.u32 v23, $0x10;
	v39 =	vadd.f32 v13, v10  }
0xd5: {  	v50 =	vmul.f32 v57, v45;
	v51 =	vshrl.u32 v8, $0x10;
	v54 =	vand.u32 $0x1, v52  }
0xd6: {  	v53 =	vand.u32 $0x1, v51;
	v25 =	vadd.f32 v39, v43;
	v28 =	vmul.f32 v36, v60  }
0xd7: {  	v57 =	vshrl.u32 v49, $0x10;
	v56 =	vadd.s32 v54, v23;
	v55 =	vadd.s32 v53, v8  }
0xd8: {  	v48 =	vld [tilespmem:$0x1FEC0];
	v30 =	vadd.s32 $0x7FFF, v56;
	v25 =	vmul.f32 v25, v28;
	v28 =	vadd.s32 $0x7FFF, v55  }
0xd9: {  	v31 =	vand.u32 $0x1, v57;
	v30 =	vand.u32 $0xFFFF0000, v30;
	v28 =	vand.u32 $0xFFFF0000, v28  }
0xda: {  	v29 =	vadd.s32 v31, v49;
	v49 =	vld [tilespmem:$0x1FED0];
	v13 =	vmul.f32 v30, v19;
	v10 =	vmul.f32 v28, v9  }
0xdb: {  	v24 =	vadd.f32 v33, v24  }
0xdc: {  	v2 =	vmul.f32 v2, v42;
	v29 =	vadd.s32 $0x7FFF, v29;
	v33 =	vadd.f32 v13, v10;
	v13 =	vld [tilespmem:$0x1FEE0]  }
0xdd: {  	v22 =	vand.u32 $0xFFFF0000, v29;
	v60 =	vmul.f32 v30, v17;
	v59 =	vmul.f32 v28, v48  }
0xde: {  	v44 =	vmul.f32 v27, v24;
	v39 =	vmul.f32 v22, v16  }
0xdf: {  	v6 =	vld [tilespmem:$0x1FF00];
	v30 =	vmul.f32 v30, v49;
	[tilespmem:s29+$0xFFFFE6C0] =	vst v25;
	v28 =	vmul.f32 v28, v11;
	v23 =	vadd.f32 v60, v59  }
0xe0: {  	v1 =	vmul.f32 v1, v42;
	v41 =	vmul.f32 v47, v46;
	v38 =	vld [tilespmem:$0x1F560]  }
0xe1: {  	v28 =	vadd.f32 v30, v28;
	v43 =	vadd.f32 v39, v23;
	v25 =	vmul.f32 v22, v13  }
0xe2: {  	v7 =	vmovc v17;
	v2 =	vadd.f32 v2, v50;
	v17 =	vmul.f32 v58, v0;
	v40 =	vmul.f32 v22, v18;
	v22 =	vld [tilespmem:$0x1FEF0]  }
0xe3: {  	[tilespmem:$0x1FFE0] =	vst v44;
	v46 =	vmul.f32 v37, v45;
	v37 =	vld [tilespmem:s31+$0x6540];
	v27 =	vadd.f32 v43, v61;
	v25 =	vadd.f32 v25, v28  }
0xe4: {  	[tilespmem:$0x1FFF0] =	vst v41;
	v41 =	vld [tilespmem:s31+$0xC840];
	v0 =	vmul.f32 v26, v0;
	v2 =	vadd.f32 v2, v17;
	v44 =	vadd.f32 v40, v33  }
0xe5: {  	v31 =	vmul.f32 v38, v36;
	v50 =	vmul.f32 v27, v15;
	v28 =	vld [tilespmem:$0x1FF10];
	v51 =	vadd.f32 v25, v6  }
0xe6: {  	v30 =	vld [tilespmem:s31+$0x6440];
	v53 =	vmul.f32 v27, v12;
	v55 =	vmul.f32 v27, v3  }
0xe7: {  	v33 =	vld [tilespmem:s31+$0x64C0];
	v2 =	vmul.f32 v2, v31;
	v29 =	vadd.f32 v44, v22;
	v57 =	vmul.f32 v51, v15  }
0xe8: {  	v1 =	vadd.f32 v1, v46;
	v39 =	vld [tilespmem:s31+$0x96C0];
	v59 =	vmul.f32 v51, v12;
	v26 =	vmul.f32 v51, v3  }
0xe9: {  	v38 =	vld [tilespmem:s31+$0x9640];
	v47 =	vmul.f32 v29, v63;
	v52 =	vmul.f32 v29, v62  }
0xea: {  	v0 =	vadd.f32 v1, v0;
	v43 =	vld [tilespmem:s31+$0xC8C0];
	v54 =	vmul.f32 v29, v28;
	v56 =	vmul.f32 v29, v4  }
0xeb: {  	v44 =	vld [tilespmem:s31+$0x9740];
	v58 =	vmul.f32 v29, v14;
	v40 =	vadd.f32 v50, v47;
	v42 =	vadd.f32 v53, v52  }
0xec: {  	v45 =	vld [tilespmem:s31+$0xC940];
	[tilespmem:$0x1FF80] =	vst v0;
	v60 =	vmul.f32 v29, v21;
	(erf) = vrcp.f32 v29;
	v0 =	vadd.f32 v55, v54  }
0xed: {  	v10 =	vmul.f32 v40, v30;
	v17 =	vmul.f32 v42, v33  }
0xee: {  	v20 =	vmov v5;
	v50 =	vmul.f32 v0, v37;
	v51 =	vmul.f32 v40, v38  }
0xef: {  	v5 =	vmovc v16;
	v16 =	vadd.f32 v57, v56;
	v52 =	vmul.f32 v42, v39;
	v53 =	vmul.f32 v40, v41  }
0xf0: {  	v24 =	vmovc v4;
	v4 =	vadd.f32 v59, v58;
	v54 =	vmul.f32 v42, v43;
	v56 =	vmul.f32 v0, v44  }
0xf1: {  	v57 =	vmul.f32 v0, v45;
	v30 =	vmul.f32 v16, v30  }
0xf2: {  	v59 =	vmul.f32 v4, v33;
	v29 =	vadd.f32 v17, v10;
	v55 =	vadd.f32 v52, v51  }
0xf3: {  	v25 =	vmul.f32 v16, v38;
	v17 =	vadd.f32 v26, v60;
	v1 =	vadd.f32 v54, v53  }
0xf4: {  	v35 =	vmul.f32 v4, v39;
	v54 =	vld [tilespmem:s31+$0xD0];
	v27 =	vadd.f32 v29, v50;
	v58 =	vadd.f32 v55, v56  }
0xf5: {  	v60 =	vmul.f32 v17, v37;
	v10 =	vadd.f32 v1, v57;
	v55 =	vmul.f32 v17, v44  }
0xf6: {  	v50 =	vld [tilespmem:s31+$0x50];
	v29 =	vadd.f32 v59, v30;
	v59 =	vmul.f32 v16, v41;
	v45 =	vmul.f32 v17, v45  }
0xf7: {  	[tilespmem:$0x1FF20] =	vst v16;
	v1 =	vadd.f32 v35, v25;
	v53 =	vpop (erf);
	v51 =	vmul.f32 v27, v40;
	v52 =	vmul.f32 v58, v42  }
0xf8: {  	[tilespmem:$0x1FF50] =	vst v58;
	v56 =	vmul.f32 v53, v53;
	v57 =	vmul.f32 v10, v0;
	v58 =	vld [tilespmem:s31+$0x150]  }
0xf9: {  	[tilespmem:$0x1FF30] =	vst v27;
	v27 =	vadd.f32 v29, v60;
	v26 =	vadd.f32 v1, v55;
	v16 =	vshrl.u32 v54, $0x10  }
0xfa: {  	v39 =	vadd.f32 v52, v51;
	v29 =	vmul.f32 v56, v56;
	v25 =	vand.u32 $0x1, v16  }
0xfb: {  	[tilespmem:$0x1FF70] =	vst v10;
	v60 =	vmul.f32 v4, v43;
	v10 =	vshrl.u32 v50, $0x10;
	v30 =	vadd.s32 v25, v54  }
0xfc: {  	[tilespmem:$0x1FF40] =	vst v4;
	v35 =	vmovc v20;
	v39 =	vadd.f32 v39, v57;
	v4 =	vmul.f32 v29, v20;
	v20 =	vand.u32 $0x1, v10  }
0xfd: {  	v38 =	vadd.s32 $0x7FFF, v30;
	v37 =	vadd.s32 v20, v50;
	v31 =	vshrl.u32 v58, $0x10  }
0xfe: {  	v34 =	vand.u32 $0xFFFF0000, v38;
	v37 =	vadd.s32 $0x7FFF, v37;
	v47 =	vand.u32 $0x1, v31  }
0xff: {  	[tilespmem:$0x1FFD0] =	vst v32;
	v39 =	vmul.f32 v39, v4;
	v32 =	vand.u32 $0xFFFF0000, v37;
	v1 =	vadd.s32 v47, v58  }
0x100: {  	v54 =	vmul.f32 v34, v19;
	v1 =	vadd.s32 $0x7FFF, v1;
	v53 =	vmul.f32 v32, v9  }
0x101: {  	[tilespmem:s29+$0xFFFFFF40] =	vst v2;
	v52 =	vmul.f32 v34, v7;
	v51 =	vmul.f32 v32, v48;
	v1 =	vand.u32 $0xFFFF0000, v1  }
0x102: {  	v33 =	vadd.f32 v60, v59;
	v50 =	vld [tilespmem:$0x1F570];
	[tilespmem:s29+$0xFFFFE650] =	vst v39;
	v44 =	vadd.f32 v54, v53;
	v56 =	vmul.f32 v1, v18  }
0x103: {  	v40 =	vmul.f32 v27, v40;
	v39 =	vld [tilespmem:$0x1F560];
	v38 =	vadd.f32 v52, v51;
	v55 =	vmul.f32 v1, v5  }
0x104: {  	v37 =	vmul.f32 v34, v49;
	v2 =	vmul.f32 v32, v11;
	v58 =	vadd.f32 v56, v44  }
0x105: {  	[tilespmem:$0x1FF60] =	vst v17;
	v59 =	vmul.f32 v26, v42;
	v17 =	vadd.f32 v33, v45;
	v38 =	vadd.f32 v55, v38  }
0x106: {  	v8 =	vmovc v18;
	v41 =	vld [tilespmem:s31+$0x64D0];
	v2 =	vadd.f32 v37, v2;
	v1 =	vmul.f32 v1, v13;
	v46 =	vadd.f32 v58, v22  }
0x107: {  	v16 =	vmovc v48;
	v45 =	vld [tilespmem:s31+$0x9650];
	v0 =	vmul.f32 v17, v0;
	v57 =	vmul.f32 v50, v36;
	v38 =	vadd.f32 v38, v61  }
0x108: {  	v4 =	vmovc v5;
	v48 =	vld [tilespmem:s31+$0x96D0];
	v1 =	vadd.f32 v1, v2;
	v42 =	vmul.f32 v29, v39;
	v60 =	vmul.f32 v46, v63  }
0x109: {  	v5 =	vmovc v11;
	v37 =	vadd.f32 v59, v40;
	v40 =	vld [tilespmem:s31+$0x9750];
	v10 =	vmul.f32 v38, v15;
	v11 =	vmul.f32 v46, v62  }
0x10a: {  	[tilespmem:$0x1FFC0] =	vst v17;
	v44 =	vld [tilespmem:s31+$0x6450];
	v1 =	vadd.f32 v1, v6;
	v17 =	vmul.f32 v38, v12;
	v18 =	vmul.f32 v46, v28  }
0x10b: {  	[tilespmem:$0x1FFA0] =	vst v27;
	v25 =	vmov v22;
	v2 =	vld [tilespmem:s31+$0x6550];
	v38 =	vmul.f32 v38, v3;
	v22 =	vmul.f32 v46, v24  }
0x10c: {  	[tilespmem:$0x1FFB0] =	vst v26;
	v26 =	vmov v24;
	v51 =	vld [tilespmem:s31+$0xC850];
	v24 =	vmul.f32 v1, v15;
	v27 =	vmul.f32 v46, v14  }
0x10d: {  	v20 =	vmovc v49;
	v32 =	vmovc v14;
	v54 =	vld [tilespmem:s31+$0xC8D0];
	v14 =	vmul.f32 v46, v21;
	(erf) = vrcp.f32 v46;
	v49 =	vadd.f32 v10, v60  }
0x10e: {  	v56 =	vld [tilespmem:s31+$0xC950];
	v50 =	vadd.f32 v17, v11;
	v60 =	vmul.f32 v1, v12;
	v55 =	vadd.f32 v38, v18  }
0x10f: {  	v1 =	vmul.f32 v1, v3;
	v10 =	vmul.f32 v49, v44  }
0x110: {  	v0 =	vadd.f32 v37, v0;
	v11 =	vmul.f32 v50, v41;
	v18 =	vmul.f32 v55, v2  }
0x111: {  	v31 =	vmovc v21;
	v37 =	vadd.f32 v24, v22;
	v21 =	vmul.f32 v49, v45;
	v22 =	vmul.f32 v50, v48  }
0x112: {  	v39 =	vadd.f32 v60, v27;
	v24 =	vmul.f32 v49, v51;
	v27 =	vmul.f32 v50, v54  }
0x113: {  	v36 =	vmov v29;
	v29 =	vmul.f32 v55, v40;
	v30 =	vmul.f32 v55, v56  }
0x114: {  	v38 =	vadd.f32 v1, v14;
	v58 =	vmul.f32 v37, v44;
	v59 =	vmul.f32 v37, v45  }
0x115: {  	v60 =	vld [tilespmem:s31+$0x60];
	v17 =	vadd.f32 v11, v10;
	v1 =	vadd.f32 v22, v21;
	v41 =	vmul.f32 v39, v41  }
0x116: {  	v14 =	vld [tilespmem:s31+$0xE0];
	v47 =	vadd.f32 v27, v24;
	v48 =	vmul.f32 v39, v48;
	v10 =	vmul.f32 v37, v51  }
0x117: {  	v11 =	vmul.f32 v39, v54;
	v43 =	vadd.f32 v17, v18;
	v44 =	vadd.f32 v1, v29  }
0x118: {  	v2 =	vmul.f32 v38, v2;
	v45 =	vadd.f32 v47, v30;
	v41 =	vadd.f32 v41, v58  }
0x119: {  	v24 =	vld [tilespmem:s31+$0x160];
	v1 =	vadd.f32 v48, v59;
	v17 =	vmul.f32 v38, v40;
	v51 =	vadd.f32 v11, v10  }
0x11a: {  	v18 =	vmul.f32 v38, v56;
	v47 =	vmul.f32 v0, v42;
	v27 =	vshrl.u32 v60, $0x10  }
0x11b: {  	v29 =	vshrl.u32 v14, $0x10;
	v40 =	vadd.f32 v41, v2;
	v21 =	vmul.f32 v43, v49  }
0x11c: {  	v22 =	vmul.f32 v44, v50;
	v42 =	vadd.f32 v1, v17;
	v1 =	vand.u32 $0x1, v27  }
0x11d: {  	v41 =	vadd.f32 v51, v18;
	v2 =	vand.u32 $0x1, v29;
	v1 =	vadd.s32 v1, v60  }
0x11e: {  	v2 =	vadd.s32 v2, v14;
	v56 =	vshrl.u32 v24, $0x10;
	v0 =	vadd.f32 v22, v21  }
0x11f: {  	v30 =	vmul.f32 v40, v49;
	v1 =	vadd.s32 $0x7FFF, v1;
	v2 =	vadd.s32 $0x7FFF, v2  }
0x120: {  	v48 =	vand.u32 $0x1, v56;
	v1 =	vand.u32 $0xFFFF0000, v1;
	v2 =	vand.u32 $0xFFFF0000, v2  }
0x121: {  	[tilespmem:$0x1FF90] =	vst v57;
	v48 =	vadd.s32 v48, v24;
	v57 =	vmul.f32 v1, v16;
	v58 =	vmul.f32 v2, v7  }
0x122: {  	v48 =	vadd.s32 $0x7FFF, v48;
	v59 =	vmul.f32 v1, v9;
	v60 =	vmul.f32 v2, v19  }
0x123: {  	v27 =	vmovc v16;
	v50 =	vmul.f32 v42, v50;
	v48 =	vand.u32 $0xFFFF0000, v48;
	v49 =	vadd.f32 v58, v57  }
0x124: {  	v16 =	vmovc v7;
	v7 =	vmul.f32 v48, v4;
	v52 =	vadd.f32 v60, v59;
	v14 =	vmul.f32 v48, v8  }
0x125: {  	v50 =	vadd.f32 v50, v30;
	v1 =	vmul.f32 v1, v5;
	v2 =	vmul.f32 v2, v20  }
0x126: {  	v40 =	vmul.f32 v40, v37;
	v21 =	vpop (erf);
	v49 =	vadd.f32 v7, v49;
	v29 =	vadd.f32 v14, v52  }
0x127: {  	v11 =	vmovc v4;
	v30 =	vmul.f32 v21, v21;
	v1 =	vadd.f32 v2, v1;
	v4 =	vmul.f32 v48, v13  }
0x128: {  	v24 =	vmovc v20;
	v20 =	vmul.f32 v45, v55;
	v49 =	vadd.f32 v49, v61;
	v59 =	vadd.f32 v29, v25  }
0x129: {  	v54 =	vld [tilespmem:s31+$0xC8E0];
	v22 =	vmovc v5;
	v5 =	vmul.f32 v41, v55;
	v46 =	vmul.f32 v30, v30;
	v1 =	vadd.f32 v4, v1  }
0x12a: {  	v18 =	vmov v9;
	v56 =	vld [tilespmem:s31+$0x6460];
	v7 =	vmul.f32 v59, v63;
	v9 =	vmul.f32 v49, v15  }
0x12b: {  	v33 =	vmovc v13;
	v60 =	vld [tilespmem:s31+$0x64E0];
	v1 =	vadd.f32 v1, v6;
	v13 =	vmul.f32 v59, v62;
	v29 =	vmul.f32 v49, v12  }
0x12c: {  	v17 =	vmov v8;
	v8 =	vld [tilespmem:s31+$0x6560];
	v30 =	vmul.f32 v59, v28;
	v49 =	vmul.f32 v49, v3  }
0x12d: {  	v34 =	vmovc v6;
	v14 =	vmov v61;
	v61 =	vld [tilespmem:s31+$0x9660];
	v58 =	vmul.f32 v59, v26;
	v4 =	vmul.f32 v1, v15  }
0x12e: {  	v21 =	vmovc v62;
	v51 =	vadd.f32 v50, v5;
	v62 =	vld [tilespmem:s31+$0x96E0];
	v5 =	vmul.f32 v59, v32;
	v6 =	vmul.f32 v1, v12  }
0x12f: {  	v23 =	vmovc v63;
	v63 =	vld [tilespmem:s31+$0xC860];
	v1 =	vmul.f32 v1, v3;
	(erf) = vrcp.f32 v59;
	v55 =	vadd.f32 v9, v7  }
0x130: {  	v57 =	vadd.f32 v29, v13;
	v53 =	vadd.f32 v49, v30;
	v9 =	vld [tilespmem:s31+$0x9760];
	v7 =	vmul.f32 v59, v31  }
0x131: {  	v49 =	vadd.f32 v4, v58;
	v58 =	vld [tilespmem:s31+$0xC960];
	v50 =	vadd.f32 v6, v5;
	v13 =	vmul.f32 v55, v56  }
0x132: {  	v29 =	vmul.f32 v57, v60;
	v48 =	vadd.f32 v1, v7;
	v4 =	vmul.f32 v55, v61;
	v7 =	vld [tilespmem:s31+$0x70]  }
0x133: {  	v10 =	vadd.f32 v0, v20;
	v1 =	vld [tilespmem:s31+$0x170];
	v60 =	vmul.f32 v50, v60;
	v30 =	vmul.f32 v57, v62  }
0x134: {  	v5 =	vmul.f32 v55, v63;
	v13 =	vadd.f32 v29, v13;
	v29 =	vmul.f32 v57, v54  }
0x135: {  	v6 =	vld [tilespmem:s31+$0xF0];
	v52 =	vadd.f32 v30, v4;
	v4 =	vmul.f32 v46, v35;
	v30 =	vmul.f32 v53, v8  }
0x136: {  	v20 =	vmovc v3;
	v2 =	vmul.f32 v53, v9;
	v3 =	vmul.f32 v53, v58;
	v5 =	vadd.f32 v29, v5  }
0x137: {  	v29 =	vadd.f32 v13, v30;
	v13 =	vmul.f32 v49, v56;
	v30 =	vmul.f32 v10, v4  }
0x138: {  	v56 =	vadd.f32 v52, v2;
	v59 =	vshrl.u32 v7, $0x10;
	v10 =	vshrl.u32 v1, $0x10  }
0x139: {  	v52 =	vadd.f32 v5, v3;
	v2 =	vand.u32 $0x1, v59;
	v5 =	vand.u32 $0x1, v10  }
0x13a: {  	v59 =	vmul.f32 v50, v62;
	v0 =	vadd.f32 v60, v13;
	v60 =	vshrl.u32 v6, $0x10  }
0x13b: {  	v2 =	vadd.s32 v2, v7;
	v1 =	vadd.s32 v5, v1;
	v3 =	vand.u32 $0x1, v60  }
0x13c: {  	v13 =	vmul.f32 v48, v8;
	v2 =	vadd.s32 $0x7FFF, v2;
	v3 =	vadd.s32 v3, v6  }
0x13d: {  	v6 =	vmul.f32 v49, v61;
	v2 =	vand.u32 $0xFFFF0000, v2;
	v3 =	vadd.s32 $0x7FFF, v3  }
0x13e: {  	v60 =	vmul.f32 v2, v27;
	v18 =	vmul.f32 v2, v18;
	v3 =	vand.u32 $0xFFFF0000, v3  }
0x13f: {  	v1 =	vadd.s32 $0x7FFF, v1;
	v61 =	vmul.f32 v3, v16;
	v19 =	vmul.f32 v3, v19  }
0x140: {  	v10 =	vmul.f32 v29, v55;
	v6 =	vadd.f32 v59, v6;
	v16 =	vand.u32 $0xFFFF0000, v1  }
0x141: {  	v62 =	vadd.f32 v61, v60;
	v59 =	vadd.f32 v19, v18;
	v60 =	vmul.f32 v16, v17  }
0x142: {  	v27 =	vadd.f32 v0, v13;
	v2 =	vmul.f32 v2, v22;
	v13 =	vmul.f32 v16, v11  }
0x143: {  	v3 =	vmul.f32 v3, v24;
	v1 =	vpop (erf);
	v61 =	vmul.f32 v48, v9;
	v7 =	vadd.f32 v60, v59  }
0x144: {  	v17 =	vmul.f32 v56, v57;
	v18 =	vmul.f32 v1, v1;
	v5 =	vadd.f32 v13, v62  }
0x145: {  	v62 =	vmul.f32 v49, v63;
	v63 =	vmul.f32 v50, v54;
	v7 =	vadd.f32 v7, v25  }
0x146: {  	v11 =	vld [tilespmem:s31+$0x6470];
	v13 =	vadd.f32 v6, v61;
	v6 =	vmul.f32 v18, v18;
	v5 =	vadd.f32 v5, v14  }
0x147: {  	v19 =	vld [tilespmem:s31+$0x64F0];
	v14 =	vmul.f32 v16, v33;
	v22 =	vmul.f32 v7, v23  }
0x148: {  	v2 =	vadd.f32 v3, v2;
	v59 =	vld [tilespmem:s31+$0x9670];
	v23 =	vmul.f32 v5, v15;
	v24 =	vmul.f32 v7, v21  }
0x149: {  	v61 =	vld [tilespmem:s31+$0x96F0];
	v8 =	vadd.f32 v63, v62;
	v25 =	vmul.f32 v5, v12;
	v33 =	vmul.f32 v7, v28  }
0x14a: {  	v16 =	vld [tilespmem:s31+$0x6570];
	v2 =	vadd.f32 v14, v2;
	(erf) = vrcp.f32 v7;
	v5 =	vmul.f32 v5, v20  }
0x14b: {  	v62 =	vld [tilespmem:s31+$0x9770];
	v14 =	vmul.f32 v7, v32;
	v9 =	vadd.f32 v23, v22;
	v4 =	vadd.f32 v25, v24  }
0x14c: {  	v10 =	vadd.f32 v17, v10;
	v17 =	vld [tilespmem:s31+$0xC8F0];
	v24 =	vmul.f32 v7, v26;
	v7 =	vmul.f32 v7, v31  }
0x14d: {  	v63 =	vld [tilespmem:s31+$0xC870];
	v2 =	vadd.f32 v2, v34;
	v25 =	vmul.f32 v9, v11;
	v3 =	vmul.f32 v4, v19  }
0x14e: {  	v54 =	vld [tilespmem:s31+$0xC970];
	v5 =	vadd.f32 v5, v33;
	v26 =	vmul.f32 v9, v59;
	v28 =	vmul.f32 v4, v61  }
0x14f: {  	v15 =	vmul.f32 v2, v15;
	v12 =	vmul.f32 v2, v12  }
0x150: {  	v33 =	vmul.f32 v5, v16;
	v34 =	vmul.f32 v5, v62;
	v31 =	vadd.f32 v3, v25  }
0x151: {  	v2 =	vmul.f32 v2, v20;
	v32 =	vadd.f32 v28, v26;
	v15 =	vadd.f32 v15, v24  }
0x152: {  	v24 =	vmul.f32 v9, v63;
	v25 =	vmul.f32 v4, v17;
	v12 =	vadd.f32 v12, v14  }
0x153: {  	v26 =	vmul.f32 v5, v54;
	v1 =	vadd.f32 v31, v33;
	v3 =	vadd.f32 v32, v34  }
0x154: {  	v0 =	vadd.f32 v25, v24;
	v32 =	vmul.f32 v52, v53;
	v11 =	vmul.f32 v15, v11;
	v28 =	vpop (erf)  }
0x155: {  	v19 =	vmul.f32 v12, v19;
	v31 =	vmul.f32 v28, v28  }
0x156: {  	v0 =	vadd.f32 v0, v26;
	v33 =	vmul.f32 v1, v9;
	v34 =	vmul.f32 v3, v4  }
0x157: {  	v2 =	vadd.f32 v2, v7;
	v24 =	vmul.f32 v15, v59;
	v25 =	vmul.f32 v6, v35  }
0x158: {  	v18 =	vadd.f32 v34, v33;
	v14 =	vmul.f32 v31, v31;
	v60 =	vmul.f32 v0, v5  }
0x159: {  	[tilespmem:s29+$0xFFFFE660] =	vst v30;
	v16 =	vmul.f32 v2, v16;
	v30 =	vmul.f32 v2, v62;
	v10 =	vadd.f32 v10, v32  }
0x15a: {  	v26 =	vmul.f32 v12, v61;
	v18 =	vadd.f32 v18, v60;
	v28 =	vmul.f32 v14, v35  }
0x15b: {  	v17 =	vmul.f32 v12, v17;
	v11 =	vadd.f32 v19, v11;
	v10 =	vmul.f32 v10, v25;
	v31 =	vld [tilespmem:$0x1F560]  }
0x15c: {  	v7 =	vadd.f32 v26, v24;
	v34 =	vmul.f32 v15, v63;
	v25 =	vld [tilespmem:$0x1FF20];
	v18 =	vmul.f32 v18, v28  }
0x15d: {  	v42 =	vmul.f32 v42, v39;
	v59 =	vmul.f32 v48, v58;
	v11 =	vadd.f32 v11, v16;
	v24 =	vld [tilespmem:$0x1FF40];
	[tilespmem:s29+$0xFFFFE670] =	vst v10  }
0x15e: {  	v63 =	vmul.f32 v2, v54;
	v7 =	vadd.f32 v7, v30;
	v17 =	vadd.f32 v17, v34;
	v62 =	vld [tilespmem:$0x1F560];
	[tilespmem:s29+$0xFFFFE680] =	vst v18  }
0x15f: {  	v22 =	vmul.f32 v27, v55;
	v8 =	vadd.f32 v8, v59;
	v26 =	vmul.f32 v13, v57;
	v28 =	vld [tilespmem:$0x1F560]  }
0x160: {  	v35 =	vld [tilespmem:$0x1FF30];
	v9 =	vmul.f32 v11, v9;
	v17 =	vadd.f32 v17, v63;
	v4 =	vmul.f32 v7, v4  }
0x161: {  	v60 =	vld [tilespmem:$0x1FF50];
	v19 =	vadd.f32 v26, v22;
	v16 =	vmul.f32 v46, v31;
	v31 =	vmul.f32 v8, v53  }
0x162: {  	v55 =	vmul.f32 v43, v37;
	v26 =	vld [tilespmem:$0x1FF60];
	v4 =	vadd.f32 v4, v9;
	v5 =	vmul.f32 v17, v5  }
0x163: {  	[tilespmem:s29+$0xFFFFE6D0] =	vst v47;
	v59 =	vmul.f32 v45, v38;
	v34 =	vld [tilespmem:$0x1FF70];
	v33 =	vadd.f32 v19, v31;
	v18 =	vmul.f32 v6, v62  }
0x164: {  	v30 =	vld [tilespmem:$0x1F560];
	v32 =	vmul.f32 v51, v16;
	v4 =	vadd.f32 v4, v5;
	v47 =	vmul.f32 v14, v28  }
0x165: {  	v53 =	vld [tilespmem:$0x1FF90];
	v10 =	vmul.f32 v35, v25;
	v16 =	vmul.f32 v33, v18  }
0x166: {  	v61 =	vmul.f32 v60, v24;
	v51 =	vld [tilespmem:$0x1FF80];
	[tilespmem:s29+$0xFFFFE6E0] =	vst v32;
	v4 =	vmul.f32 v4, v47  }
0x167: {  	v1 =	vmul.f32 v1, v15;
	v3 =	vmul.f32 v3, v12;
	v58 =	vld [tilespmem:$0x1F560];
	[tilespmem:s29+$0xFFFFE6F0] =	vst v16  }
0x168: {  	v57 =	vmul.f32 v44, v39;
	v5 =	vmul.f32 v34, v26;
	v10 =	vadd.f32 v61, v10;
	v60 =	vld [tilespmem:$0x1F560];
	[tilespmem:s29+$0xFFFFE700] =	vst v4  }
0x169: {  	v1 =	vadd.f32 v3, v1;
	v62 =	vmul.f32 v56, v50;
	v61 =	vmul.f32 v29, v49;
	v63 =	vld [tilespmem:$0x1F560]  }
0x16a: {  	v54 =	vmul.f32 v30, v36;
	v31 =	vld [tilespmem:$0x1FFA0];
	v5 =	vadd.f32 v10, v5;
	v10 =	vadd.f32 v57, v55  }
0x16b: {  	v0 =	vmul.f32 v0, v2;
	v35 =	vld [tilespmem:$0x1FFC0];
	v29 =	vmul.f32 v52, v48;
	v28 =	vadd.f32 v62, v61  }
0x16c: {  	v34 =	vld [tilespmem:$0x1FFB0];
	v5 =	vmul.f32 v5, v54;
	v9 =	vadd.f32 v10, v59;
	v30 =	vmul.f32 v58, v46  }
0x16d: {  	v45 =	vmul.f32 v41, v38;
	v56 =	vld [tilespmem:$0x1FFD0];
	v10 =	vadd.f32 v28, v29;
	v4 =	vmul.f32 v60, v6  }
0x16e: {  	v0 =	vadd.f32 v1, v0;
	[tilespmem:s29+$0xFFFFFF50] =	vst v5;
	v58 =	vld [tilespmem:$0x1FFE0];
	v5 =	vmul.f32 v9, v30;
	v33 =	vmul.f32 v63, v14  }
0x16f: {  	v7 =	vmul.f32 v7, v12;
	v32 =	vld [tilespmem:$0x1F570];
	v4 =	vmul.f32 v10, v4  }
0x170: {  	v2 =	vmul.f32 v17, v2;
	v60 =	vld [tilespmem:$0x1FFF0];
	[tilespmem:s29+$0xFFFFFF60] =	vst v5;
	v0 =	vmul.f32 v0, v33  }
0x171: {  	v3 =	vmul.f32 v31, v25;
	v9 =	vmul.f32 v34, v24;
	v43 =	vld [tilespmem:$0x1F570];
	[tilespmem:s29+$0xFFFFFF70] =	vst v4  }
0x172: {  	v52 =	vmul.f32 v27, v49;
	v21 =	vmul.f32 v53, v51;
	v47 =	vld [tilespmem:$0x1F570];
	[tilespmem:s29+$0xFFFFFF80] =	vst v0  }
0x173: {  	v53 =	vmul.f32 v13, v50;
	v3 =	vadd.f32 v9, v3;
	v10 =	vmul.f32 v35, v26;
	v54 =	vld [tilespmem:$0x1F570]  }
0x174: {  	v55 =	vmul.f32 v11, v15;
	v57 =	vmul.f32 v8, v48;
	v51 =	vadd.f32 v42, v40  }
0x175: {  	[tilespmem:s29+$0xFFFFFF90] =	vst v56;
	v1 =	vadd.f32 v53, v52;
	v44 =	vmul.f32 v32, v36;
	v3 =	vadd.f32 v3, v10  }
0x176: {  	s28 =	sadd.s32 $0x8, s28;
	v7 =	vadd.f32 v7, v55;
	[tilespmem:s29+$0xFFFFFFC0] =	vst v21;
	v59 =	vmul.f32 v43, v46;
	v0 =	vadd.f32 v51, v45  }
0x177: {  	p2 =	slt.u32 s28, $0xC0;
	v1 =	vadd.f32 v1, v57;
	[tilespmem:s29+$0xFFFFFFA0] =	vst v58;
	v3 =	vmul.f32 v44, v3;
	v61 =	vmul.f32 v47, v6  }
.Ltmp4:
0x178: {  	v2 =	vadd.f32 v7, v2;
	[tilespmem:s29+$0xFFFFFFB0] =	vst v60;
	v0 =	vmul.f32 v59, v0;
	v62 =	vmul.f32 v54, v14;
	(pc) =	sbr.rel @p2 .LBB2_3-.Ltmp4, $4  }
0x179: {  	[tilespmem:s29+$0xFFFFFFD0] =	vst v3;
	v1 =	vmul.f32 v61, v1  }
0x17a: {  	[tilespmem:s29+$0xFFFFFFE0] =	vst v0;
	v63 =	vmul.f32 v62, v2  }
0x17b: {  	[tilespmem:s29+$0xFFFFFFF0] =	vst v1  }
0x17c: {  	s30 =	sadd.s32 $0x800, s30;
	[tilespmem:s29+$0x0] =	vst v63;
	s29 =	sadd.s32 $0x100, s29  }
0x17d: {  	s26 =	smul.u32 $0x320, s26;
	_ =	sdelay $0x1  }
0x17e: {  	s26 =	sadd.s32 s5, s26  }
0x17f: {  	[hbm4b:s26+s18] =	stream.strided.scatter [tilespmem:s20], [sflag:$0x3], $0x3200, s19, s18, $0x38;
	[tilespmem:$0x1F580] =	vst v63  }
0x180: {  	p2 =	sgt.u32 @!p1 s25, $0x250;
	s26 =	simm.s32 @!p1 $0x2  }
0x181: {  	p2 =	por p2, p1;
	_ =	swait.ge @!p1 [sflag:s26], $0x3200  }
0x182: {  	s28 =	smul.u32 @!p2 $0x3200, s25;
	[sflag:s26] =	ssyncset.done @!p1 $0x0  }
0x183: {  	[sflag:s26] =	ssyncadd.s32 @!p1 $0xFFFFCE00  }
0x184: {  	s28 =	sshrl.u32 @!p2 s28, $0x3;
	_ =	swait.ge @!p1 [sflag:s26], $0x9600  }
0x185: {  	s29 =	simm.s32 @!p2 $0x0;
	s28 =	sadd.s32 @!p2 $0xC800, s28;
	[sflag:s26] =	ssyncset.done @!p1 $0x0  }
0x186: {  	s30 =	simm.s32 @!p2 $0x6400;
	[sflag:s26] =	ssyncadd.s32 @!p1 $0xFFFF6A00;
	s26 =	sadd.s32 @!p2 s0, s28  }
0x187: {  	[tilespmem:s29], [sflag:$0x1] =	stream.linear.gather @!p2 [hbm4b:s26+s29], $0x3200, $0x38;
	[tilespmem:$0x1F580] =	vst v63  }
0x188: {  	s26 =	sadd.s32 @!p2 s1, s28;
	s28 =	simm.s32 @!p2 $0x3200;
	s29 =	simm.s32 @!p2 $0x7A1200  }
0x189: {  	[tilespmem:s30], [sflag:$0x1] =	stream.strided.gather @!p2 [hbm4b:s26+s28], $0x9600, s29, s28, $0x38;
	[tilespmem:$0x1F580] =	vst v63  }
.Ltmp5:
0x18a: {  	p2 =	slt.u32 s25, s10;
	(pc) =	sbr.rel @p1 .LBB2_8-.Ltmp5, $4  }
0x18b: {  	s26 =	simm.s32 @!p2 $0x4  }
0x18c: {  	_ =	swait.ge @!p2 [sflag:s26], $0x3200  }
0x18d: {  	[sflag:s26] =	ssyncset.done @!p2 $0x0  }
0x18e: {  	[sflag:s26] =	ssyncadd.s32 @!p2 $0xFFFFCE00  }
0x18f: {  	s26 =	simm.s32 $0xFFFFFFF8;
	s28 =	simm.s32 $0x1DBF0;
	s29 =	simm.s32 $0x0  }
.LBB2_6:
0x190: {  	v46 =	vld [tilespmem:$0x1F400]  }
0x191: {  	v17 =	vld [tilespmem:$0x1F410]  }
0x192: {  	v16 =	vld [tilespmem:$0x1F420]  }
0x193: {  	v47 =	vld [tilespmem:$0x1F430]  }
0x194: {  	v49 =	vld [tilespmem:$0x1F440]  }
0x195: {  	s30 =	sshra.s32 s29, $0x2;
	v6 =	vld [tilespmem:$0x1F450]  }
0x196: {  	v1 =	vld [tilespmem:s30+$0x3200]  }
0x197: {  	v2 =	vld [tilespmem:s30+$0x3280]  }
0x198: {  	v4 =	vld [tilespmem:$0x1F460]  }
0x199: {  	v3 =	vld [tilespmem:s30+$0x3300]  }
0x19a: {  	v0 =	vld [tilespmem:$0x1F470]  }
0x19b: {  	v48 =	vld [tilespmem:$0x1F480]  }
0x19c: {  	v19 =	vld [tilespmem:$0x1F490];
	v8 =	vshrl.u32 v1, $0x10;
	v9 =	vshrl.u32 v2, $0x10  }
0x19d: {  	v18 =	vld [tilespmem:$0x1F4A0];
	v8 =	vand.u32 $0x1, v8;
	v10 =	vand.u32 $0x1, v9  }
0x19e: {  	v43 =	vld [tilespmem:$0x1F4B0];
	v12 =	vshrl.u32 v3, $0x10;
	v1 =	vadd.s32 v8, v1;
	v2 =	vadd.s32 v10, v2  }
0x19f: {  	v7 =	vld [tilespmem:$0x1F4C0];
	v45 =	vand.u32 $0x1, v12;
	v44 =	vadd.s32 $0x7FFF, v1;
	v2 =	vadd.s32 $0x7FFF, v2  }
0x1a0: {  	v15 =	vld [tilespmem:$0x1F4E0];
	v3 =	vadd.s32 v45, v3;
	v14 =	vand.u32 $0xFFFF0000, v44;
	v20 =	vand.u32 $0xFFFF0000, v2  }
0x1a1: {  	v50 =	vld [tilespmem:$0x1F520];
	v3 =	vadd.s32 $0x7FFF, v3;
	v13 =	vmul.f32 v14, v46;
	v21 =	vmul.f32 v20, v17  }
0x1a2: {  	v52 =	vld [tilespmem:s30+$0xFA00];
	v24 =	vand.u32 $0xFFFF0000, v3;
	v22 =	vmul.f32 v14, v48;
	v23 =	vmul.f32 v20, v19  }
0x1a3: {  	v27 =	vld [tilespmem:s30+$0xFA80];
	v25 =	vmul.f32 v24, v16  }
0x1a4: {  	v28 =	vld [tilespmem:s30+$0xFB00];
	v51 =	vmul.f32 v24, v18;
	v21 =	vadd.f32 v21, v13;
	v22 =	vadd.f32 v23, v22  }
0x1a5: {  	v12 =	vld [tilespmem:$0x1F510];
	v26 =	vmul.f32 v14, v49;
	v20 =	vmul.f32 v20, v6  }
0x1a6: {  	v1 =	vld [tilespmem:$0x1F4F0];
	v21 =	vadd.f32 v25, v21;
	v22 =	vadd.f32 v51, v22  }
0x1a7: {  	v8 =	vld [tilespmem:$0x1F4D0];
	v20 =	vadd.f32 v20, v26  }
0x1a8: {  	v3 =	vld [tilespmem:$0x1F540];
	v24 =	vmul.f32 v24, v4;
	v21 =	vadd.f32 v21, v47;
	v22 =	vadd.f32 v22, v43  }
0x1a9: {  	v53 =	vld [tilespmem:s30+$0x12C00]  }
0x1aa: {  	v14 =	vld [tilespmem:$0x1F500];
	v20 =	vadd.f32 v24, v20;
	v54 =	vmul.f32 v22, v7;
	v55 =	vmul.f32 v15, v21  }
0x1ab: {  	v29 =	vld [tilespmem:s30+$0x12C80];
	v30 =	vmul.f32 v1, v22;
	v31 =	vmul.f32 v12, v21  }
0x1ac: {  	v32 =	vld [tilespmem:s30+$0x12D00];
	v20 =	vadd.f32 v20, v0;
	v56 =	vmul.f32 v50, v22;
	(erf) = vrcp.f32 v22  }
0x1ad: {  	v34 =	vld [tilespmem:s30+$0x15E00];
	v57 =	vmul.f32 v3, v21;
	v58 =	vmul.f32 v8, v22  }
0x1ae: {  	v35 =	vld [tilespmem:s30+$0x15E80];
	v36 =	vmul.f32 v15, v20;
	v33 =	vadd.f32 v55, v54;
	v30 =	vadd.f32 v31, v30  }
0x1af: {  	v37 =	vmul.f32 v14, v22;
	v44 =	vmul.f32 v12, v20  }
0x1b0: {  	v39 =	vld [tilespmem:s30+$0x15F00];
	v38 =	vadd.f32 v57, v56;
	v59 =	vmul.f32 v52, v33;
	v60 =	vmul.f32 v27, v30  }
0x1b1: {  	v40 =	vmul.f32 v53, v33;
	v41 =	vmul.f32 v29, v30  }
0x1b2: {  	v61 =	vmul.f32 v28, v38;
	v42 =	vmul.f32 v32, v38;
	v25 =	vadd.f32 v60, v59  }
0x1b3: {  	v10 =	vmovc v43;
	v21 =	vld [tilespmem:$0x1F530];
	v62 =	vmul.f32 v34, v33;
	v43 =	vmul.f32 v35, v30;
	v40 =	vadd.f32 v41, v40  }
0x1b4: {  	v5 =	vmul.f32 v3, v20;
	v31 =	vadd.f32 v58, v36;
	v45 =	vadd.f32 v61, v25  }
0x1b5: {  	v2 =	vmul.f32 v39, v38;
	v63 =	vadd.f32 v43, v62;
	v40 =	vadd.f32 v42, v40  }
0x1b6: {  	v58 =	vld [tilespmem:$0x1F550];
	v37 =	vadd.f32 v37, v44;
	v23 =	vmul.f32 v52, v31;
	v13 =	vpop (erf);
	v11 =	vmul.f32 v45, v33  }
0x1b7: {  	v43 =	vadd.f32 v2, v63;
	v20 =	vmul.f32 v40, v30;
	v42 =	vmul.f32 v13, v13  }
0x1b8: {  	v27 =	vmul.f32 v27, v37;
	v22 =	vmul.f32 v21, v22  }
0x1b9: {  	v9 =	vmovc v50;
	v50 =	vmul.f32 v43, v38;
	v44 =	vadd.f32 v20, v11;
	v26 =	vmul.f32 v42, v42  }
0x1ba: {  	v24 =	vmul.f32 v53, v31;
	v29 =	vmul.f32 v29, v37;
	v25 =	vadd.f32 v22, v5  }
0x1bb: {  	v53 =	vmul.f32 v34, v31;
	v22 =	vadd.f32 v50, v44;
	v51 =	vmul.f32 v58, v26  }
0x1bc: {  	v54 =	vmul.f32 v35, v37;
	v23 =	vadd.f32 v27, v23;
	v28 =	vmul.f32 v28, v25  }
0x1bd: {  	v24 =	vadd.f32 v29, v24;
	v59 =	vld [tilespmem:s30+$0x3210];
	v52 =	vmul.f32 v32, v25;
	v22 =	vmul.f32 v22, v51  }
0x1be: {  	v55 =	vadd.f32 v54, v53;
	v62 =	vld [tilespmem:s30+$0x3290]  }
0x1bf: {  	v2 =	vld [tilespmem:s30+$0x3310];
	v56 =	vmul.f32 v39, v25;
	v23 =	vadd.f32 v28, v23;
	v24 =	vadd.f32 v52, v24;
	[tilespmem:s28+$0xFFFFE610] =	vst v22  }
0x1c0: {  	v57 =	vld [tilespmem:$0x1F560]  }
0x1c1: {  	v28 =	vadd.f32 v56, v55;
	v60 =	vmul.f32 v23, v33;
	v61 =	vmul.f32 v24, v30  }
0x1c2: {  	v5 =	vmul.f32 v45, v31;
	v13 =	vshrl.u32 v59, $0x10  }
0x1c3: {  	v20 =	vshrl.u32 v62, $0x10;
	v63 =	vmul.f32 v28, v38;
	v22 =	vadd.f32 v61, v60  }
0x1c4: {  	v11 =	vmul.f32 v40, v37;
	v39 =	vand.u32 $0x1, v20;
	v41 =	vshrl.u32 v2, $0x10  }
0x1c5: {  	v38 =	vand.u32 $0x1, v13;
	v22 =	vadd.f32 v63, v22;
	v29 =	vmul.f32 v57, v26  }
0x1c6: {  	v27 =	vadd.f32 v11, v5;
	v30 =	vadd.s32 v39, v62;
	v40 =	vadd.s32 v38, v59  }
0x1c7: {  	v30 =	vadd.s32 $0x7FFF, v30;
	v22 =	vmul.f32 v29, v22;
	v29 =	vadd.s32 $0x7FFF, v40  }
0x1c8: {  	v32 =	vand.u32 $0x1, v41;
	v30 =	vand.u32 $0xFFFF0000, v30;
	v29 =	vand.u32 $0xFFFF0000, v29  }
0x1c9: {  	v42 =	vadd.s32 v32, v2;
	v45 =	vmul.f32 v30, v17;
	[tilespmem:s28+$0xFFFFE690] =	vst v22;
	v44 =	vmul.f32 v29, v46  }
0x1ca: {  	v13 =	vmovc v46;
	v11 =	vmovc v48;
	v50 =	vmul.f32 v30, v19;
	v22 =	vadd.s32 $0x7FFF, v42;
	v48 =	vmul.f32 v29, v48;
	v46 =	vld [tilespmem:$0x1F560]  }
0x1cb: {  	v51 =	vmul.f32 v43, v25;
	v22 =	vand.u32 $0xFFFF0000, v22;
	v32 =	vadd.f32 v45, v44  }
0x1cc: {  	v52 =	vmul.f32 v22, v16;
	v35 =	vadd.f32 v50, v48;
	v53 =	vmul.f32 v22, v18  }
0x1cd: {  	v30 =	vmul.f32 v30, v6;
	v27 =	vadd.f32 v51, v27;
	v29 =	vmul.f32 v29, v49  }
0x1ce: {  	v56 =	vmul.f32 v23, v31;
	v32 =	vadd.f32 v52, v32;
	v54 =	vadd.f32 v53, v35  }
0x1cf: {  	v29 =	vadd.f32 v30, v29;
	v55 =	vmul.f32 v22, v4;
	v34 =	vmul.f32 v46, v26  }
0x1d0: {  	v41 =	vld [tilespmem:s30+$0xFA90];
	v28 =	vmul.f32 v28, v25;
	v59 =	vadd.f32 v32, v47;
	v32 =	vadd.f32 v54, v10  }
0x1d1: {  	v60 =	vmul.f32 v24, v37;
	v37 =	vld [tilespmem:s30+$0x12C10];
	v61 =	vadd.f32 v55, v29;
	v35 =	vmul.f32 v34, v27  }
0x1d2: {  	[tilespmem:$0x1FD00] =	vst v1;
	v40 =	vld [tilespmem:s30+$0xFA10];
	v62 =	vmul.f32 v32, v7;
	v63 =	vmul.f32 v59, v15  }
0x1d3: {  	v2 =	vmovc v1;
	v42 =	vld [tilespmem:s30+$0x12C90];
	v24 =	vadd.f32 v61, v0;
	v33 =	vmul.f32 v32, v1;
	v1 =	vmul.f32 v59, v12  }
0x1d4: {  	v22 =	vld [tilespmem:s30+$0x12D10];
	v5 =	vmul.f32 v32, v9;
	v31 =	vmul.f32 v59, v3  }
0x1d5: {  	v44 =	vld [tilespmem:s30+$0x15E10];
	v23 =	vmul.f32 v32, v8;
	v48 =	vmul.f32 v24, v15  }
0x1d6: {  	v57 =	vmovc v49;
	v45 =	vld [tilespmem:s30+$0x15E90];
	v49 =	vmul.f32 v32, v14;
	v50 =	vmul.f32 v24, v12;
	v30 =	vadd.f32 v63, v62  }
0x1d7: {  	v46 =	vld [tilespmem:s30+$0x15F10];
	v53 =	vmul.f32 v32, v21;
	v24 =	vmul.f32 v24, v3;
	v36 =	vadd.f32 v1, v33  }
0x1d8: {  	(erf) = vrcp.f32 v32;
	v38 =	vadd.f32 v31, v5;
	v51 =	vmul.f32 v30, v40  }
0x1d9: {  	[tilespmem:$0x1FD10] =	vst v56;
	v27 =	vld [tilespmem:s30+$0xFB10];
	v52 =	vmul.f32 v36, v41;
	v56 =	vmul.f32 v30, v37  }
0x1da: {  	[tilespmem:$0x1FD20] =	vst v60;
	v61 =	vld [tilespmem:s30+$0x3220];
	v34 =	vadd.f32 v48, v23;
	v59 =	vmul.f32 v36, v42;
	v60 =	vmul.f32 v38, v22  }
0x1db: {  	v33 =	vadd.f32 v50, v49;
	v62 =	vmul.f32 v30, v44;
	v50 =	vmul.f32 v36, v45  }
0x1dc: {  	v24 =	vadd.f32 v24, v53;
	v63 =	vmul.f32 v38, v46;
	v37 =	vmul.f32 v34, v37  }
0x1dd: {  	v5 =	vld [tilespmem:s30+$0x3320];
	v44 =	vmul.f32 v34, v44;
	v45 =	vmul.f32 v33, v45  }
0x1de: {  	v46 =	vmul.f32 v24, v46;
	v55 =	vmul.f32 v38, v27;
	v54 =	vadd.f32 v52, v51;
	v51 =	vld [tilespmem:s30+$0x32A0]  }
0x1df: {  	v29 =	vadd.f32 v59, v56;
	v52 =	vmul.f32 v34, v40;
	v56 =	vshrl.u32 v61, $0x10  }
0x1e0: {  	v31 =	vadd.f32 v50, v62;
	v50 =	vmul.f32 v33, v41;
	v43 =	vand.u32 $0x1, v56  }
0x1e1: {  	v39 =	vadd.f32 v54, v55;
	v41 =	vadd.f32 v29, v60;
	v29 =	vmul.f32 v24, v27  }
0x1e2: {  	v40 =	vadd.f32 v31, v63;
	v31 =	vmul.f32 v33, v42;
	v43 =	vadd.s32 v43, v61  }
0x1e3: {  	v60 =	vshrl.u32 v5, $0x10;
	v43 =	vadd.s32 $0x7FFF, v43;
	v59 =	vshrl.u32 v51, $0x10  }
0x1e4: {  	[tilespmem:$0x1FCE0] =	vst v47;
	v20 =	vmovc v47;
	v1 =	vmovc v14;
	v49 =	vand.u32 $0x1, v60;
	v14 =	vmul.f32 v39, v30;
	v47 =	vand.u32 $0x1, v59  }
0x1e5: {  	v48 =	vmul.f32 v41, v36;
	v32 =	vadd.s32 v49, v5;
	v47 =	vadd.s32 v47, v51  }
0x1e6: {  	v43 =	vand.u32 $0xFFFF0000, v43;
	v32 =	vadd.s32 $0x7FFF, v32;
	v47 =	vadd.s32 $0x7FFF, v47  }
0x1e7: {  	v61 =	vmul.f32 v43, v13;
	v54 =	vmul.f32 v43, v11;
	v47 =	vand.u32 $0xFFFF0000, v47  }
0x1e8: {  	v53 =	vpop (erf);
	v32 =	vand.u32 $0xFFFF0000, v32;
	v62 =	vmul.f32 v47, v17;
	v55 =	vmul.f32 v47, v19  }
0x1e9: {  	v50 =	vadd.f32 v50, v52;
	v53 =	vmul.f32 v53, v53;
	v63 =	vmul.f32 v32, v16  }
0x1ea: {  	[tilespmem:$0x1FCF0] =	vst v7;
	v5 =	vmul.f32 v32, v18;
	v49 =	vadd.f32 v62, v61;
	v54 =	vadd.f32 v55, v54  }
0x1eb: {  	[tilespmem:$0x1FD40] =	vst v6;
	v50 =	vadd.f32 v50, v29;
	v43 =	vmul.f32 v43, v57;
	v47 =	vmul.f32 v47, v6  }
0x1ec: {  	[tilespmem:$0x1FD50] =	vst v4;
	v42 =	vmul.f32 v24, v22;
	v49 =	vadd.f32 v63, v49;
	v59 =	vadd.f32 v5, v54  }
0x1ed: {  	v23 =	vmovc v11;
	v48 =	vadd.f32 v48, v14;
	v27 =	vmul.f32 v53, v53;
	v43 =	vadd.f32 v47, v43  }
0x1ee: {  	v56 =	vmul.f32 v40, v38;
	v11 =	vmovc v57;
	v57 =	vld [tilespmem:s30+$0x12CA0];
	v49 =	vadd.f32 v49, v20;
	v47 =	vadd.f32 v59, v10  }
0x1ef: {  	[tilespmem:$0x1FD70] =	vst v0;
	v31 =	vadd.f32 v31, v37;
	v32 =	vmul.f32 v32, v4;
	v51 =	vld [tilespmem:s30+$0xFAA0];
	v53 =	vmul.f32 v27, v58  }
0x1f0: {  	[tilespmem:$0x1FD80] =	vst v9;
	v48 =	vadd.f32 v48, v56;
	v54 =	vld [tilespmem:s30+$0xFA20];
	v60 =	vmul.f32 v47, v7;
	v61 =	vmul.f32 v49, v15  }
0x1f1: {  	[tilespmem:$0x1FD30] =	vst v13;
	v42 =	vadd.f32 v31, v42;
	v55 =	vld [tilespmem:s30+$0x12C20];
	v62 =	vmul.f32 v47, v2;
	v63 =	vmul.f32 v49, v12  }
0x1f2: {  	v22 =	vmovc v13;
	v13 =	vmovc v4;
	v48 =	vmul.f32 v48, v53;
	v53 =	vld [tilespmem:s30+$0x12D20];
	v32 =	vadd.f32 v32, v43;
	(erf) = vrcp.f32 v47  }
0x1f3: {  	v4 =	vmovc v0;
	v2 =	vmul.f32 v49, v3;
	v49 =	vld [tilespmem:s30+$0x15E20];
	v43 =	vadd.f32 v61, v60;
	v56 =	vadd.f32 v63, v62  }
0x1f4: {  	v52 =	vld [tilespmem:s30+$0xFB20];
	v5 =	vmovc v58;
	v58 =	vadd.f32 v32, v0;
	v0 =	vmul.f32 v47, v9;
	v37 =	vmul.f32 v47, v8  }
0x1f5: {  	v14 =	vmovc v6;
	v6 =	vmovc v9;
	v7 =	vmov v8;
	v60 =	vld [tilespmem:s30+$0x15EA0];
	v8 =	vmul.f32 v43, v54;
	v9 =	vmul.f32 v56, v51  }
0x1f6: {  	v61 =	vadd.f32 v2, v0;
	v62 =	vld [tilespmem:s30+$0x15F20];
	v20 =	vmul.f32 v43, v55;
	v63 =	vmul.f32 v56, v57  }
0x1f7: {  	v36 =	vmul.f32 v42, v36;
	v59 =	vmul.f32 v58, v15;
	v32 =	vadd.f32 v9, v8  }
0x1f8: {  	v31 =	vadd.f32 v63, v20;
	v9 =	vmul.f32 v61, v53;
	v20 =	vmul.f32 v43, v49  }
0x1f9: {  	v29 =	vadd.f32 v59, v37;
	v37 =	vmul.f32 v58, v12;
	v8 =	vmul.f32 v61, v52  }
0x1fa: {  	v0 =	vmul.f32 v56, v60;
	v63 =	vadd.f32 v31, v9;
	v31 =	vmul.f32 v47, v1  }
0x1fb: {  	v2 =	vadd.f32 v32, v8;
	v47 =	vmul.f32 v47, v21;
	v9 =	vmul.f32 v61, v62  }
0x1fc: {  	v59 =	vadd.f32 v0, v20;
	v20 =	vpop (erf);
	v32 =	vadd.f32 v37, v31;
	v31 =	vmul.f32 v58, v3  }
0x1fd: {  	v58 =	vmul.f32 v29, v55;
	v0 =	vmul.f32 v20, v20  }
0x1fe: {  	v8 =	vmovc v1;
	v1 =	vadd.f32 v59, v9;
	v9 =	vmul.f32 v2, v43;
	v20 =	vmul.f32 v63, v56  }
0x1ff: {  	v31 =	vadd.f32 v31, v47;
	v47 =	vmul.f32 v50, v30;
	v51 =	vmul.f32 v32, v51  }
0x200: {  	v59 =	vmul.f32 v32, v57;
	v37 =	vadd.f32 v20, v9;
	v9 =	vmul.f32 v1, v61  }
0x201: {  	v44 =	vadd.f32 v45, v44;
	v30 =	vmul.f32 v0, v0;
	v20 =	vmul.f32 v29, v54  }
0x202: {  	v57 =	vmul.f32 v29, v49;
	v52 =	vmul.f32 v31, v52;
	v0 =	vadd.f32 v37, v9  }
0x203: {  	v54 =	vmul.f32 v30, v5;
	v37 =	vadd.f32 v44, v46;
	v9 =	vadd.f32 v51, v20  }
0x204: {  	[tilespmem:s28+$0xFFFFE620] =	vst v48;
	v20 =	vmul.f32 v31, v53;
	v44 =	vadd.f32 v59, v58;
	v58 =	vmul.f32 v32, v60  }
0x205: {  	[tilespmem:s28+$0xFFFFFF10] =	vst v35;
	v60 =	vld [tilespmem:$0x1F560];
	v0 =	vmul.f32 v0, v54;
	v59 =	vmul.f32 v37, v38;
	v35 =	vadd.f32 v9, v52  }
0x206: {  	v51 =	vld [tilespmem:$0x1F570];
	v38 =	vadd.f32 v44, v20;
	v9 =	vadd.f32 v58, v57;
	v20 =	vmul.f32 v31, v62  }
0x207: {  	v41 =	vmul.f32 v41, v33;
	v40 =	vmul.f32 v40, v24;
	v36 =	vadd.f32 v36, v47;
	v57 =	vld [tilespmem:s30+$0x32B0]  }
0x208: {  	v33 =	vmul.f32 v42, v33;
	v52 =	vmul.f32 v39, v34;
	v54 =	vld [tilespmem:s30+$0x3230];
	[tilespmem:s28+$0xFFFFE630] =	vst v0;
	v39 =	vadd.f32 v9, v20  }
0x209: {  	v55 =	vmul.f32 v35, v43;
	v56 =	vmul.f32 v38, v56;
	v36 =	vadd.f32 v36, v59;
	v48 =	vld [tilespmem:$0x1F560]  }
0x20a: {  	v41 =	vadd.f32 v41, v52;
	v58 =	vmul.f32 v27, v60;
	v59 =	vmul.f32 v39, v61;
	v61 =	vld [tilespmem:s30+$0x3330]  }
0x20b: {  	v34 =	vmul.f32 v50, v34;
	v25 =	vmul.f32 v51, v26;
	v0 =	vadd.f32 v56, v55  }
0x20c: {  	v60 =	vadd.f32 v41, v40;
	v36 =	vmul.f32 v36, v58;
	v20 =	vshrl.u32 v57, $0x10  }
0x20d: {  	v9 =	vshrl.u32 v54, $0x10;
	v0 =	vadd.f32 v0, v59;
	v49 =	vand.u32 $0x1, v20  }
0x20e: {  	v51 =	vadd.s32 v49, v57;
	v62 =	vmul.f32 v30, v48;
	v48 =	vand.u32 $0x1, v9  }
0x20f: {  	[tilespmem:s28+$0xFFFFE6A0] =	vst v36;
	v41 =	vadd.s32 $0x7FFF, v51;
	v36 =	vadd.s32 v48, v54;
	v52 =	vshrl.u32 v61, $0x10  }
0x210: {  	v41 =	vand.u32 $0xFFFF0000, v41;
	v36 =	vadd.s32 $0x7FFF, v36;
	v42 =	vand.u32 $0x1, v52  }
0x211: {  	v0 =	vmul.f32 v0, v62;
	v36 =	vand.u32 $0xFFFF0000, v36;
	v40 =	vadd.s32 v42, v61  }
0x212: {  	v50 =	vld [tilespmem:$0x1F560];
	v54 =	vmul.f32 v41, v17;
	v53 =	vmul.f32 v36, v22;
	v40 =	vadd.s32 $0x7FFF, v40  }
0x213: {  	v56 =	vmul.f32 v41, v19;
	v55 =	vmul.f32 v36, v23;
	v57 =	vand.u32 $0xFFFF0000, v40  }
0x214: {  	[tilespmem:s28+$0xFFFFE6B0] =	vst v0;
	v22 =	vmul.f32 v63, v32;
	v63 =	vld [tilespmem:$0x1FCF0];
	v58 =	vadd.f32 v54, v53;
	v61 =	vmul.f32 v57, v16  }
0x215: {  	v59 =	vld [tilespmem:$0x1F560];
	v45 =	vadd.f32 v56, v55;
	v62 =	vmul.f32 v57, v18  }
0x216: {  	v41 =	vmul.f32 v41, v14;
	v36 =	vmul.f32 v36, v11;
	v40 =	vadd.f32 v61, v58;
	v61 =	vld [tilespmem:$0x1FCE0]  }
0x217: {  	v43 =	vmul.f32 v50, v27;
	v20 =	vadd.f32 v62, v45  }
0x218: {  	v2 =	vmul.f32 v2, v29;
	v47 =	vld [tilespmem:s30+$0x12C30];
	v36 =	vadd.f32 v41, v36;
	v0 =	vmul.f32 v57, v13  }
0x219: {  	v1 =	vmul.f32 v1, v31;
	v26 =	vmul.f32 v60, v43;
	v62 =	vld [tilespmem:$0x1FD00];
	v43 =	vadd.f32 v20, v10  }
0x21a: {  	v46 =	vld [tilespmem:s30+$0xFB30];
	v24 =	vmul.f32 v37, v24;
	v29 =	vmul.f32 v35, v29;
	v0 =	vadd.f32 v0, v36  }
0x21b: {  	v44 =	vld [tilespmem:s30+$0xFA30];
	v9 =	vmovc v23;
	v42 =	vmul.f32 v59, v30;
	v23 =	vmul.f32 v43, v63;
	v40 =	vadd.f32 v40, v61  }
0x21c: {  	v49 =	vld [tilespmem:s30+$0x12CB0];
	v2 =	vadd.f32 v22, v2;
	v59 =	vmul.f32 v43, v6;
	(erf) = vrcp.f32 v43  }
0x21d: {  	v41 =	vld [tilespmem:s30+$0xFAB0];
	v0 =	vadd.f32 v0, v4;
	v51 =	vmul.f32 v43, v7;
	v56 =	vmul.f32 v40, v15  }
0x21e: {  	v53 =	vld [tilespmem:s30+$0x15E30];
	v1 =	vadd.f32 v2, v1;
	v57 =	vmul.f32 v43, v62;
	v58 =	vmul.f32 v40, v12  }
0x21f: {  	v54 =	vld [tilespmem:s30+$0x15EB0];
	v45 =	vmul.f32 v0, v15;
	v40 =	vmul.f32 v40, v3;
	v48 =	vadd.f32 v56, v23  }
0x220: {  	v52 =	vld [tilespmem:s30+$0x12D30];
	v55 =	vmul.f32 v43, v8;
	v1 =	vmul.f32 v1, v42;
	v50 =	vadd.f32 v58, v57  }
0x221: {  	v40 =	vadd.f32 v40, v59;
	v23 =	vmul.f32 v0, v12;
	v60 =	vmul.f32 v48, v44  }
0x222: {  	v4 =	vmov v7;
	v56 =	vld [tilespmem:s30+$0x15F30];
	v6 =	vmul.f32 v50, v41;
	v7 =	vmul.f32 v48, v47  }
0x223: {  	[tilespmem:$0x1FD60] =	vst v10;
	v14 =	vmov v8;
	v8 =	vmul.f32 v50, v49;
	v10 =	vmul.f32 v40, v46  }
0x224: {  	v33 =	vadd.f32 v33, v34;
	v20 =	vmul.f32 v48, v53;
	v22 =	vmul.f32 v50, v54  }
0x225: {  	v13 =	vmul.f32 v40, v52;
	v36 =	vadd.f32 v6, v60;
	v2 =	vadd.f32 v8, v7  }
0x226: {  	v43 =	vmul.f32 v43, v21;
	v42 =	vadd.f32 v23, v55;
	v23 =	vld [tilespmem:$0x1FD20];
	v58 =	vadd.f32 v22, v20  }
0x227: {  	v22 =	vld [tilespmem:$0x1FD10];
	v6 =	vmul.f32 v40, v56;
	v57 =	vadd.f32 v36, v10;
	v2 =	vadd.f32 v2, v13;
	v8 =	vpop (erf)  }
0x228: {  	v45 =	vadd.f32 v45, v51;
	v0 =	vmul.f32 v0, v3;
	v60 =	vmul.f32 v8, v8  }
0x229: {  	v58 =	vadd.f32 v58, v6;
	v7 =	vmul.f32 v57, v48;
	v10 =	vmul.f32 v2, v50  }
0x22a: {  	v59 =	vmul.f32 v45, v44;
	v0 =	vadd.f32 v0, v43;
	v41 =	vmul.f32 v42, v41  }
0x22b: {  	v13 =	vmul.f32 v58, v40;
	v36 =	vmul.f32 v60, v60;
	v43 =	vadd.f32 v10, v7  }
0x22c: {  	[tilespmem:s28+$0xFFFFFF20] =	vst v26;
	v8 =	vmul.f32 v42, v49;
	v55 =	vadd.f32 v23, v22;
	v60 =	vmul.f32 v0, v46  }
0x22d: {  	v49 =	vld [tilespmem:$0x1F570];
	v7 =	vmul.f32 v45, v47;
	v6 =	vmul.f32 v36, v5;
	v43 =	vadd.f32 v43, v13  }
0x22e: {  	[tilespmem:s28+$0xFFFFFF30] =	vst v1;
	v23 =	vadd.f32 v41, v59;
	v10 =	vmul.f32 v0, v52;
	v52 =	vmul.f32 v45, v53  }
0x22f: {  	v53 =	vmul.f32 v42, v54;
	v54 =	vld [tilespmem:$0x1F570];
	v51 =	vadd.f32 v8, v7;
	v13 =	vmul.f32 v43, v6  }
0x230: {  	v32 =	vmul.f32 v38, v32;
	v22 =	vadd.f32 v28, v55;
	v37 =	vadd.f32 v23, v60;
	v23 =	vld [tilespmem:s30+$0x32C0]  }
0x231: {  	v59 =	vmul.f32 v0, v56;
	v55 =	vadd.f32 v53, v52;
	v8 =	vld [tilespmem:s30+$0x3240];
	v1 =	vadd.f32 v51, v10;
	[tilespmem:s28+$0xFFFFE640] =	vst v13  }
0x232: {  	v31 =	vmul.f32 v39, v31;
	v29 =	vadd.f32 v32, v29;
	v27 =	vmul.f32 v49, v27;
	v60 =	vld [tilespmem:$0x1F560]  }
0x233: {  	v49 =	vld [tilespmem:s30+$0x3340];
	v26 =	vadd.f32 v55, v59;
	v10 =	vmul.f32 v37, v48;
	v13 =	vmul.f32 v1, v50  }
0x234: {  	v46 =	vadd.f32 v29, v31;
	v32 =	vmul.f32 v25, v22;
	v47 =	vmul.f32 v54, v30  }
0x235: {  	v43 =	vmul.f32 v26, v40;
	v52 =	vshrl.u32 v23, $0x10;
	v39 =	vadd.f32 v13, v10  }
0x236: {  	v50 =	vmul.f32 v57, v45;
	v51 =	vshrl.u32 v8, $0x10;
	v54 =	vand.u32 $0x1, v52  }
0x237: {  	v53 =	vand.u32 $0x1, v51;
	v25 =	vadd.f32 v39, v43;
	v28 =	vmul.f32 v36, v60  }
0x238: {  	v57 =	vshrl.u32 v49, $0x10;
	v56 =	vadd.s32 v54, v23;
	v55 =	vadd.s32 v53, v8  }
0x239: {  	v48 =	vld [tilespmem:$0x1FD30];
	v30 =	vadd.s32 $0x7FFF, v56;
	v25 =	vmul.f32 v25, v28;
	v28 =	vadd.s32 $0x7FFF, v55  }
0x23a: {  	v31 =	vand.u32 $0x1, v57;
	v30 =	vand.u32 $0xFFFF0000, v30;
	v28 =	vand.u32 $0xFFFF0000, v28  }
0x23b: {  	v29 =	vadd.s32 v31, v49;
	v49 =	vld [tilespmem:$0x1FD40];
	v13 =	vmul.f32 v30, v19;
	v10 =	vmul.f32 v28, v9  }
0x23c: {  	v24 =	vadd.f32 v33, v24  }
0x23d: {  	v2 =	vmul.f32 v2, v42;
	v29 =	vadd.s32 $0x7FFF, v29;
	v33 =	vadd.f32 v13, v10;
	v13 =	vld [tilespmem:$0x1FD50]  }
0x23e: {  	v22 =	vand.u32 $0xFFFF0000, v29;
	v60 =	vmul.f32 v30, v17;
	v59 =	vmul.f32 v28, v48  }
0x23f: {  	v44 =	vmul.f32 v27, v24;
	v39 =	vmul.f32 v22, v16  }
0x240: {  	v6 =	vld [tilespmem:$0x1FD70];
	v30 =	vmul.f32 v30, v49;
	[tilespmem:s28+$0xFFFFE6C0] =	vst v25;
	v28 =	vmul.f32 v28, v11;
	v23 =	vadd.f32 v60, v59  }
0x241: {  	v1 =	vmul.f32 v1, v42;
	v41 =	vmul.f32 v47, v46;
	v38 =	vld [tilespmem:$0x1F560]  }
0x242: {  	v28 =	vadd.f32 v30, v28;
	v43 =	vadd.f32 v39, v23;
	v25 =	vmul.f32 v22, v13  }
0x243: {  	v7 =	vmovc v17;
	v2 =	vadd.f32 v2, v50;
	v17 =	vmul.f32 v58, v0;
	v40 =	vmul.f32 v22, v18;
	v22 =	vld [tilespmem:$0x1FD60]  }
0x244: {  	[tilespmem:$0x1FE50] =	vst v44;
	v46 =	vmul.f32 v37, v45;
	v37 =	vld [tilespmem:s30+$0xFB40];
	v27 =	vadd.f32 v43, v61;
	v25 =	vadd.f32 v25, v28  }
0x245: {  	[tilespmem:$0x1FE60] =	vst v41;
	v41 =	vld [tilespmem:s30+$0x15E40];
	v0 =	vmul.f32 v26, v0;
	v2 =	vadd.f32 v2, v17;
	v44 =	vadd.f32 v40, v33  }
0x246: {  	v31 =	vmul.f32 v38, v36;
	v50 =	vmul.f32 v27, v15;
	v28 =	vld [tilespmem:$0x1FD80];
	v51 =	vadd.f32 v25, v6  }
0x247: {  	v30 =	vld [tilespmem:s30+$0xFA40];
	v53 =	vmul.f32 v27, v12;
	v55 =	vmul.f32 v27, v3  }
0x248: {  	v33 =	vld [tilespmem:s30+$0xFAC0];
	v2 =	vmul.f32 v2, v31;
	v29 =	vadd.f32 v44, v22;
	v57 =	vmul.f32 v51, v15  }
0x249: {  	v1 =	vadd.f32 v1, v46;
	v39 =	vld [tilespmem:s30+$0x12CC0];
	v59 =	vmul.f32 v51, v12;
	v26 =	vmul.f32 v51, v3  }
0x24a: {  	v38 =	vld [tilespmem:s30+$0x12C40];
	v47 =	vmul.f32 v29, v63;
	v52 =	vmul.f32 v29, v62  }
0x24b: {  	v0 =	vadd.f32 v1, v0;
	v43 =	vld [tilespmem:s30+$0x15EC0];
	v54 =	vmul.f32 v29, v28;
	v56 =	vmul.f32 v29, v4  }
0x24c: {  	v44 =	vld [tilespmem:s30+$0x12D40];
	v58 =	vmul.f32 v29, v14;
	v40 =	vadd.f32 v50, v47;
	v42 =	vadd.f32 v53, v52  }
0x24d: {  	v45 =	vld [tilespmem:s30+$0x15F40];
	[tilespmem:$0x1FDF0] =	vst v0;
	v60 =	vmul.f32 v29, v21;
	(erf) = vrcp.f32 v29;
	v0 =	vadd.f32 v55, v54  }
0x24e: {  	v10 =	vmul.f32 v40, v30;
	v17 =	vmul.f32 v42, v33  }
0x24f: {  	v20 =	vmov v5;
	v50 =	vmul.f32 v0, v37;
	v51 =	vmul.f32 v40, v38  }
0x250: {  	v5 =	vmovc v16;
	v16 =	vadd.f32 v57, v56;
	v52 =	vmul.f32 v42, v39;
	v53 =	vmul.f32 v40, v41  }
0x251: {  	v24 =	vmovc v4;
	v4 =	vadd.f32 v59, v58;
	v54 =	vmul.f32 v42, v43;
	v56 =	vmul.f32 v0, v44  }
0x252: {  	v57 =	vmul.f32 v0, v45;
	v30 =	vmul.f32 v16, v30  }
0x253: {  	v59 =	vmul.f32 v4, v33;
	v29 =	vadd.f32 v17, v10;
	v55 =	vadd.f32 v52, v51  }
0x254: {  	v25 =	vmul.f32 v16, v38;
	v17 =	vadd.f32 v26, v60;
	v1 =	vadd.f32 v54, v53  }
0x255: {  	v35 =	vmul.f32 v4, v39;
	v54 =	vld [tilespmem:s30+$0x32D0];
	v27 =	vadd.f32 v29, v50;
	v58 =	vadd.f32 v55, v56  }
0x256: {  	v60 =	vmul.f32 v17, v37;
	v10 =	vadd.f32 v1, v57;
	v55 =	vmul.f32 v17, v44  }
0x257: {  	v50 =	vld [tilespmem:s30+$0x3250];
	v29 =	vadd.f32 v59, v30;
	v59 =	vmul.f32 v16, v41;
	v45 =	vmul.f32 v17, v45  }
0x258: {  	[tilespmem:$0x1FD90] =	vst v16;
	v1 =	vadd.f32 v35, v25;
	v53 =	vpop (erf);
	v51 =	vmul.f32 v27, v40;
	v52 =	vmul.f32 v58, v42  }
0x259: {  	[tilespmem:$0x1FDC0] =	vst v58;
	v56 =	vmul.f32 v53, v53;
	v57 =	vmul.f32 v10, v0;
	v58 =	vld [tilespmem:s30+$0x3350]  }
0x25a: {  	[tilespmem:$0x1FDA0] =	vst v27;
	v27 =	vadd.f32 v29, v60;
	v26 =	vadd.f32 v1, v55;
	v16 =	vshrl.u32 v54, $0x10  }
0x25b: {  	v39 =	vadd.f32 v52, v51;
	v29 =	vmul.f32 v56, v56;
	v25 =	vand.u32 $0x1, v16  }
0x25c: {  	[tilespmem:$0x1FDE0] =	vst v10;
	v60 =	vmul.f32 v4, v43;
	v10 =	vshrl.u32 v50, $0x10;
	v30 =	vadd.s32 v25, v54  }
0x25d: {  	[tilespmem:$0x1FDB0] =	vst v4;
	v35 =	vmovc v20;
	v39 =	vadd.f32 v39, v57;
	v4 =	vmul.f32 v29, v20;
	v20 =	vand.u32 $0x1, v10  }
0x25e: {  	v38 =	vadd.s32 $0x7FFF, v30;
	v37 =	vadd.s32 v20, v50;
	v31 =	vshrl.u32 v58, $0x10  }
0x25f: {  	v34 =	vand.u32 $0xFFFF0000, v38;
	v37 =	vadd.s32 $0x7FFF, v37;
	v47 =	vand.u32 $0x1, v31  }
0x260: {  	[tilespmem:$0x1FE40] =	vst v32;
	v39 =	vmul.f32 v39, v4;
	v32 =	vand.u32 $0xFFFF0000, v37;
	v1 =	vadd.s32 v47, v58  }
0x261: {  	v54 =	vmul.f32 v34, v19;
	v1 =	vadd.s32 $0x7FFF, v1;
	v53 =	vmul.f32 v32, v9  }
0x262: {  	[tilespmem:s28+$0xFFFFFF40] =	vst v2;
	v52 =	vmul.f32 v34, v7;
	v51 =	vmul.f32 v32, v48;
	v1 =	vand.u32 $0xFFFF0000, v1  }
0x263: {  	v33 =	vadd.f32 v60, v59;
	v50 =	vld [tilespmem:$0x1F570];
	[tilespmem:s28+$0xFFFFE650] =	vst v39;
	v44 =	vadd.f32 v54, v53;
	v56 =	vmul.f32 v1, v18  }
0x264: {  	v40 =	vmul.f32 v27, v40;
	v39 =	vld [tilespmem:$0x1F560];
	v38 =	vadd.f32 v52, v51;
	v55 =	vmul.f32 v1, v5  }
0x265: {  	v37 =	vmul.f32 v34, v49;
	v2 =	vmul.f32 v32, v11;
	v58 =	vadd.f32 v56, v44  }
0x266: {  	[tilespmem:$0x1FDD0] =	vst v17;
	v59 =	vmul.f32 v26, v42;
	v17 =	vadd.f32 v33, v45;
	v38 =	vadd.f32 v55, v38  }
0x267: {  	v8 =	vmovc v18;
	v41 =	vld [tilespmem:s30+$0xFAD0];
	v2 =	vadd.f32 v37, v2;
	v1 =	vmul.f32 v1, v13;
	v46 =	vadd.f32 v58, v22  }
0x268: {  	v16 =	vmovc v48;
	v45 =	vld [tilespmem:s30+$0x12C50];
	v0 =	vmul.f32 v17, v0;
	v57 =	vmul.f32 v50, v36;
	v38 =	vadd.f32 v38, v61  }
0x269: {  	v4 =	vmovc v5;
	v48 =	vld [tilespmem:s30+$0x12CD0];
	v1 =	vadd.f32 v1, v2;
	v42 =	vmul.f32 v29, v39;
	v60 =	vmul.f32 v46, v63  }
0x26a: {  	v5 =	vmovc v11;
	v37 =	vadd.f32 v59, v40;
	v40 =	vld [tilespmem:s30+$0x12D50];
	v10 =	vmul.f32 v38, v15;
	v11 =	vmul.f32 v46, v62  }
0x26b: {  	[tilespmem:$0x1FE30] =	vst v17;
	v44 =	vld [tilespmem:s30+$0xFA50];
	v1 =	vadd.f32 v1, v6;
	v17 =	vmul.f32 v38, v12;
	v18 =	vmul.f32 v46, v28  }
0x26c: {  	[tilespmem:$0x1FE10] =	vst v27;
	v25 =	vmov v22;
	v2 =	vld [tilespmem:s30+$0xFB50];
	v38 =	vmul.f32 v38, v3;
	v22 =	vmul.f32 v46, v24  }
0x26d: {  	[tilespmem:$0x1FE20] =	vst v26;
	v26 =	vmov v24;
	v51 =	vld [tilespmem:s30+$0x15E50];
	v24 =	vmul.f32 v1, v15;
	v27 =	vmul.f32 v46, v14  }
0x26e: {  	v20 =	vmovc v49;
	v32 =	vmovc v14;
	v54 =	vld [tilespmem:s30+$0x15ED0];
	v14 =	vmul.f32 v46, v21;
	(erf) = vrcp.f32 v46;
	v49 =	vadd.f32 v10, v60  }
0x26f: {  	v56 =	vld [tilespmem:s30+$0x15F50];
	v50 =	vadd.f32 v17, v11;
	v60 =	vmul.f32 v1, v12;
	v55 =	vadd.f32 v38, v18  }
0x270: {  	v1 =	vmul.f32 v1, v3;
	v10 =	vmul.f32 v49, v44  }
0x271: {  	v0 =	vadd.f32 v37, v0;
	v11 =	vmul.f32 v50, v41;
	v18 =	vmul.f32 v55, v2  }
0x272: {  	v31 =	vmovc v21;
	v37 =	vadd.f32 v24, v22;
	v21 =	vmul.f32 v49, v45;
	v22 =	vmul.f32 v50, v48  }
0x273: {  	v39 =	vadd.f32 v60, v27;
	v24 =	vmul.f32 v49, v51;
	v27 =	vmul.f32 v50, v54  }
0x274: {  	v36 =	vmov v29;
	v29 =	vmul.f32 v55, v40;
	v30 =	vmul.f32 v55, v56  }
0x275: {  	v38 =	vadd.f32 v1, v14;
	v58 =	vmul.f32 v37, v44;
	v59 =	vmul.f32 v37, v45  }
0x276: {  	v60 =	vld [tilespmem:s30+$0x3260];
	v17 =	vadd.f32 v11, v10;
	v1 =	vadd.f32 v22, v21;
	v41 =	vmul.f32 v39, v41  }
0x277: {  	v14 =	vld [tilespmem:s30+$0x32E0];
	v47 =	vadd.f32 v27, v24;
	v48 =	vmul.f32 v39, v48;
	v10 =	vmul.f32 v37, v51  }
0x278: {  	v11 =	vmul.f32 v39, v54;
	v43 =	vadd.f32 v17, v18;
	v44 =	vadd.f32 v1, v29  }
0x279: {  	v2 =	vmul.f32 v38, v2;
	v45 =	vadd.f32 v47, v30;
	v41 =	vadd.f32 v41, v58  }
0x27a: {  	v24 =	vld [tilespmem:s30+$0x3360];
	v1 =	vadd.f32 v48, v59;
	v17 =	vmul.f32 v38, v40;
	v51 =	vadd.f32 v11, v10  }
0x27b: {  	v18 =	vmul.f32 v38, v56;
	v47 =	vmul.f32 v0, v42;
	v27 =	vshrl.u32 v60, $0x10  }
0x27c: {  	v29 =	vshrl.u32 v14, $0x10;
	v40 =	vadd.f32 v41, v2;
	v21 =	vmul.f32 v43, v49  }
0x27d: {  	v22 =	vmul.f32 v44, v50;
	v42 =	vadd.f32 v1, v17;
	v1 =	vand.u32 $0x1, v27  }
0x27e: {  	v41 =	vadd.f32 v51, v18;
	v2 =	vand.u32 $0x1, v29;
	v1 =	vadd.s32 v1, v60  }
0x27f: {  	v2 =	vadd.s32 v2, v14;
	v56 =	vshrl.u32 v24, $0x10;
	v0 =	vadd.f32 v22, v21  }
0x280: {  	v30 =	vmul.f32 v40, v49;
	v1 =	vadd.s32 $0x7FFF, v1;
	v2 =	vadd.s32 $0x7FFF, v2  }
0x281: {  	v48 =	vand.u32 $0x1, v56;
	v1 =	vand.u32 $0xFFFF0000, v1;
	v2 =	vand.u32 $0xFFFF0000, v2  }
0x282: {  	[tilespmem:$0x1FE00] =	vst v57;
	v48 =	vadd.s32 v48, v24;
	v57 =	vmul.f32 v1, v16;
	v58 =	vmul.f32 v2, v7  }
0x283: {  	v48 =	vadd.s32 $0x7FFF, v48;
	v59 =	vmul.f32 v1, v9;
	v60 =	vmul.f32 v2, v19  }
0x284: {  	v27 =	vmovc v16;
	v50 =	vmul.f32 v42, v50;
	v48 =	vand.u32 $0xFFFF0000, v48;
	v49 =	vadd.f32 v58, v57  }
0x285: {  	v16 =	vmovc v7;
	v7 =	vmul.f32 v48, v4;
	v52 =	vadd.f32 v60, v59;
	v14 =	vmul.f32 v48, v8  }
0x286: {  	v50 =	vadd.f32 v50, v30;
	v1 =	vmul.f32 v1, v5;
	v2 =	vmul.f32 v2, v20  }
0x287: {  	v40 =	vmul.f32 v40, v37;
	v21 =	vpop (erf);
	v49 =	vadd.f32 v7, v49;
	v29 =	vadd.f32 v14, v52  }
0x288: {  	v11 =	vmovc v4;
	v30 =	vmul.f32 v21, v21;
	v1 =	vadd.f32 v2, v1;
	v4 =	vmul.f32 v48, v13  }
0x289: {  	v24 =	vmovc v20;
	v20 =	vmul.f32 v45, v55;
	v49 =	vadd.f32 v49, v61;
	v59 =	vadd.f32 v29, v25  }
0x28a: {  	v54 =	vld [tilespmem:s30+$0x15EE0];
	v22 =	vmovc v5;
	v5 =	vmul.f32 v41, v55;
	v46 =	vmul.f32 v30, v30;
	v1 =	vadd.f32 v4, v1  }
0x28b: {  	v18 =	vmov v9;
	v56 =	vld [tilespmem:s30+$0xFA60];
	v7 =	vmul.f32 v59, v63;
	v9 =	vmul.f32 v49, v15  }
0x28c: {  	v33 =	vmovc v13;
	v60 =	vld [tilespmem:s30+$0xFAE0];
	v1 =	vadd.f32 v1, v6;
	v13 =	vmul.f32 v59, v62;
	v29 =	vmul.f32 v49, v12  }
0x28d: {  	v17 =	vmov v8;
	v8 =	vld [tilespmem:s30+$0xFB60];
	v30 =	vmul.f32 v59, v28;
	v49 =	vmul.f32 v49, v3  }
0x28e: {  	v34 =	vmovc v6;
	v14 =	vmov v61;
	v61 =	vld [tilespmem:s30+$0x12C60];
	v58 =	vmul.f32 v59, v26;
	v4 =	vmul.f32 v1, v15  }
0x28f: {  	v21 =	vmovc v62;
	v51 =	vadd.f32 v50, v5;
	v62 =	vld [tilespmem:s30+$0x12CE0];
	v5 =	vmul.f32 v59, v32;
	v6 =	vmul.f32 v1, v12  }
0x290: {  	v23 =	vmovc v63;
	v63 =	vld [tilespmem:s30+$0x15E60];
	v1 =	vmul.f32 v1, v3;
	(erf) = vrcp.f32 v59;
	v55 =	vadd.f32 v9, v7  }
0x291: {  	v57 =	vadd.f32 v29, v13;
	v53 =	vadd.f32 v49, v30;
	v9 =	vld [tilespmem:s30+$0x12D60];
	v7 =	vmul.f32 v59, v31  }
0x292: {  	v49 =	vadd.f32 v4, v58;
	v58 =	vld [tilespmem:s30+$0x15F60];
	v50 =	vadd.f32 v6, v5;
	v13 =	vmul.f32 v55, v56  }
0x293: {  	v29 =	vmul.f32 v57, v60;
	v48 =	vadd.f32 v1, v7;
	v4 =	vmul.f32 v55, v61;
	v7 =	vld [tilespmem:s30+$0x3270]  }
0x294: {  	v10 =	vadd.f32 v0, v20;
	v1 =	vld [tilespmem:s30+$0x3370];
	v60 =	vmul.f32 v50, v60;
	v30 =	vmul.f32 v57, v62  }
0x295: {  	v5 =	vmul.f32 v55, v63;
	v13 =	vadd.f32 v29, v13;
	v29 =	vmul.f32 v57, v54  }
0x296: {  	v6 =	vld [tilespmem:s30+$0x32F0];
	v52 =	vadd.f32 v30, v4;
	v4 =	vmul.f32 v46, v35;
	v30 =	vmul.f32 v53, v8  }
0x297: {  	v20 =	vmovc v3;
	v2 =	vmul.f32 v53, v9;
	v3 =	vmul.f32 v53, v58;
	v5 =	vadd.f32 v29, v5  }
0x298: {  	v29 =	vadd.f32 v13, v30;
	v13 =	vmul.f32 v49, v56;
	v30 =	vmul.f32 v10, v4  }
0x299: {  	v56 =	vadd.f32 v52, v2;
	v59 =	vshrl.u32 v7, $0x10;
	v10 =	vshrl.u32 v1, $0x10  }
0x29a: {  	v52 =	vadd.f32 v5, v3;
	v2 =	vand.u32 $0x1, v59;
	v5 =	vand.u32 $0x1, v10  }
0x29b: {  	v59 =	vmul.f32 v50, v62;
	v0 =	vadd.f32 v60, v13;
	v60 =	vshrl.u32 v6, $0x10  }
0x29c: {  	v2 =	vadd.s32 v2, v7;
	v1 =	vadd.s32 v5, v1;
	v3 =	vand.u32 $0x1, v60  }
0x29d: {  	v13 =	vmul.f32 v48, v8;
	v2 =	vadd.s32 $0x7FFF, v2;
	v3 =	vadd.s32 v3, v6  }
0x29e: {  	v6 =	vmul.f32 v49, v61;
	v2 =	vand.u32 $0xFFFF0000, v2;
	v3 =	vadd.s32 $0x7FFF, v3  }
0x29f: {  	v60 =	vmul.f32 v2, v27;
	v18 =	vmul.f32 v2, v18;
	v3 =	vand.u32 $0xFFFF0000, v3  }
0x2a0: {  	v1 =	vadd.s32 $0x7FFF, v1;
	v61 =	vmul.f32 v3, v16;
	v19 =	vmul.f32 v3, v19  }
0x2a1: {  	v10 =	vmul.f32 v29, v55;
	v6 =	vadd.f32 v59, v6;
	v16 =	vand.u32 $0xFFFF0000, v1  }
0x2a2: {  	v62 =	vadd.f32 v61, v60;
	v59 =	vadd.f32 v19, v18;
	v60 =	vmul.f32 v16, v17  }
0x2a3: {  	v27 =	vadd.f32 v0, v13;
	v2 =	vmul.f32 v2, v22;
	v13 =	vmul.f32 v16, v11  }
0x2a4: {  	v3 =	vmul.f32 v3, v24;
	v1 =	vpop (erf);
	v61 =	vmul.f32 v48, v9;
	v7 =	vadd.f32 v60, v59  }
0x2a5: {  	v17 =	vmul.f32 v56, v57;
	v18 =	vmul.f32 v1, v1;
	v5 =	vadd.f32 v13, v62  }
0x2a6: {  	v62 =	vmul.f32 v49, v63;
	v63 =	vmul.f32 v50, v54;
	v7 =	vadd.f32 v7, v25  }
0x2a7: {  	v11 =	vld [tilespmem:s30+$0xFA70];
	v13 =	vadd.f32 v6, v61;
	v6 =	vmul.f32 v18, v18;
	v5 =	vadd.f32 v5, v14  }
0x2a8: {  	v19 =	vld [tilespmem:s30+$0xFAF0];
	v14 =	vmul.f32 v16, v33;
	v22 =	vmul.f32 v7, v23  }
0x2a9: {  	v2 =	vadd.f32 v3, v2;
	v59 =	vld [tilespmem:s30+$0x12C70];
	v23 =	vmul.f32 v5, v15;
	v24 =	vmul.f32 v7, v21  }
0x2aa: {  	v61 =	vld [tilespmem:s30+$0x12CF0];
	v8 =	vadd.f32 v63, v62;
	v25 =	vmul.f32 v5, v12;
	v33 =	vmul.f32 v7, v28  }
0x2ab: {  	v16 =	vld [tilespmem:s30+$0xFB70];
	v2 =	vadd.f32 v14, v2;
	(erf) = vrcp.f32 v7;
	v5 =	vmul.f32 v5, v20  }
0x2ac: {  	v62 =	vld [tilespmem:s30+$0x12D70];
	v14 =	vmul.f32 v7, v32;
	v9 =	vadd.f32 v23, v22;
	v4 =	vadd.f32 v25, v24  }
0x2ad: {  	v10 =	vadd.f32 v17, v10;
	v17 =	vld [tilespmem:s30+$0x15EF0];
	v24 =	vmul.f32 v7, v26;
	v7 =	vmul.f32 v7, v31  }
0x2ae: {  	v63 =	vld [tilespmem:s30+$0x15E70];
	v2 =	vadd.f32 v2, v34;
	v25 =	vmul.f32 v9, v11;
	v3 =	vmul.f32 v4, v19  }
0x2af: {  	v54 =	vld [tilespmem:s30+$0x15F70];
	v5 =	vadd.f32 v5, v33;
	v26 =	vmul.f32 v9, v59;
	v28 =	vmul.f32 v4, v61  }
0x2b0: {  	v15 =	vmul.f32 v2, v15;
	v12 =	vmul.f32 v2, v12  }
0x2b1: {  	v33 =	vmul.f32 v5, v16;
	v34 =	vmul.f32 v5, v62;
	v31 =	vadd.f32 v3, v25  }
0x2b2: {  	v2 =	vmul.f32 v2, v20;
	v32 =	vadd.f32 v28, v26;
	v15 =	vadd.f32 v15, v24  }
0x2b3: {  	v24 =	vmul.f32 v9, v63;
	v25 =	vmul.f32 v4, v17;
	v12 =	vadd.f32 v12, v14  }
0x2b4: {  	v26 =	vmul.f32 v5, v54;
	v1 =	vadd.f32 v31, v33;
	v3 =	vadd.f32 v32, v34  }
0x2b5: {  	v0 =	vadd.f32 v25, v24;
	v32 =	vmul.f32 v52, v53;
	v11 =	vmul.f32 v15, v11;
	v28 =	vpop (erf)  }
0x2b6: {  	v19 =	vmul.f32 v12, v19;
	v31 =	vmul.f32 v28, v28  }
0x2b7: {  	v0 =	vadd.f32 v0, v26;
	v33 =	vmul.f32 v1, v9;
	v34 =	vmul.f32 v3, v4  }
0x2b8: {  	v2 =	vadd.f32 v2, v7;
	v24 =	vmul.f32 v15, v59;
	v25 =	vmul.f32 v6, v35  }
0x2b9: {  	v18 =	vadd.f32 v34, v33;
	v14 =	vmul.f32 v31, v31;
	v60 =	vmul.f32 v0, v5  }
0x2ba: {  	[tilespmem:s28+$0xFFFFE660] =	vst v30;
	v16 =	vmul.f32 v2, v16;
	v30 =	vmul.f32 v2, v62;
	v10 =	vadd.f32 v10, v32  }
0x2bb: {  	v26 =	vmul.f32 v12, v61;
	v18 =	vadd.f32 v18, v60;
	v28 =	vmul.f32 v14, v35  }
0x2bc: {  	v17 =	vmul.f32 v12, v17;
	v11 =	vadd.f32 v19, v11;
	v10 =	vmul.f32 v10, v25;
	v31 =	vld [tilespmem:$0x1F560]  }
0x2bd: {  	v7 =	vadd.f32 v26, v24;
	v34 =	vmul.f32 v15, v63;
	v25 =	vld [tilespmem:$0x1FD90];
	v18 =	vmul.f32 v18, v28  }
0x2be: {  	v42 =	vmul.f32 v42, v39;
	v59 =	vmul.f32 v48, v58;
	v11 =	vadd.f32 v11, v16;
	v24 =	vld [tilespmem:$0x1FDB0];
	[tilespmem:s28+$0xFFFFE670] =	vst v10  }
0x2bf: {  	v63 =	vmul.f32 v2, v54;
	v7 =	vadd.f32 v7, v30;
	v17 =	vadd.f32 v17, v34;
	v62 =	vld [tilespmem:$0x1F560];
	[tilespmem:s28+$0xFFFFE680] =	vst v18  }
0x2c0: {  	v22 =	vmul.f32 v27, v55;
	v8 =	vadd.f32 v8, v59;
	v26 =	vmul.f32 v13, v57;
	v28 =	vld [tilespmem:$0x1F560]  }
0x2c1: {  	v35 =	vld [tilespmem:$0x1FDA0];
	v9 =	vmul.f32 v11, v9;
	v17 =	vadd.f32 v17, v63;
	v4 =	vmul.f32 v7, v4  }
0x2c2: {  	v60 =	vld [tilespmem:$0x1FDC0];
	v19 =	vadd.f32 v26, v22;
	v16 =	vmul.f32 v46, v31;
	v31 =	vmul.f32 v8, v53  }
0x2c3: {  	v55 =	vmul.f32 v43, v37;
	v26 =	vld [tilespmem:$0x1FDD0];
	v4 =	vadd.f32 v4, v9;
	v5 =	vmul.f32 v17, v5  }
0x2c4: {  	[tilespmem:s28+$0xFFFFE6D0] =	vst v47;
	v59 =	vmul.f32 v45, v38;
	v34 =	vld [tilespmem:$0x1FDE0];
	v33 =	vadd.f32 v19, v31;
	v18 =	vmul.f32 v6, v62  }
0x2c5: {  	v30 =	vld [tilespmem:$0x1F560];
	v32 =	vmul.f32 v51, v16;
	v4 =	vadd.f32 v4, v5;
	v47 =	vmul.f32 v14, v28  }
0x2c6: {  	v53 =	vld [tilespmem:$0x1FE00];
	v10 =	vmul.f32 v35, v25;
	v16 =	vmul.f32 v33, v18  }
0x2c7: {  	v61 =	vmul.f32 v60, v24;
	v51 =	vld [tilespmem:$0x1FDF0];
	[tilespmem:s28+$0xFFFFE6E0] =	vst v32;
	v4 =	vmul.f32 v4, v47  }
0x2c8: {  	v1 =	vmul.f32 v1, v15;
	v3 =	vmul.f32 v3, v12;
	v58 =	vld [tilespmem:$0x1F560];
	[tilespmem:s28+$0xFFFFE6F0] =	vst v16  }
0x2c9: {  	v57 =	vmul.f32 v44, v39;
	v5 =	vmul.f32 v34, v26;
	v10 =	vadd.f32 v61, v10;
	v60 =	vld [tilespmem:$0x1F560];
	[tilespmem:s28+$0xFFFFE700] =	vst v4  }
0x2ca: {  	v1 =	vadd.f32 v3, v1;
	v62 =	vmul.f32 v56, v50;
	v61 =	vmul.f32 v29, v49;
	v63 =	vld [tilespmem:$0x1F560]  }
0x2cb: {  	v54 =	vmul.f32 v30, v36;
	v31 =	vld [tilespmem:$0x1FE10];
	v5 =	vadd.f32 v10, v5;
	v10 =	vadd.f32 v57, v55  }
0x2cc: {  	v0 =	vmul.f32 v0, v2;
	v35 =	vld [tilespmem:$0x1FE30];
	v29 =	vmul.f32 v52, v48;
	v28 =	vadd.f32 v62, v61  }
0x2cd: {  	v34 =	vld [tilespmem:$0x1FE20];
	v5 =	vmul.f32 v5, v54;
	v9 =	vadd.f32 v10, v59;
	v30 =	vmul.f32 v58, v46  }
0x2ce: {  	v45 =	vmul.f32 v41, v38;
	v56 =	vld [tilespmem:$0x1FE40];
	v10 =	vadd.f32 v28, v29;
	v4 =	vmul.f32 v60, v6  }
0x2cf: {  	v0 =	vadd.f32 v1, v0;
	[tilespmem:s28+$0xFFFFFF50] =	vst v5;
	v58 =	vld [tilespmem:$0x1FE50];
	v5 =	vmul.f32 v9, v30;
	v33 =	vmul.f32 v63, v14  }
0x2d0: {  	v7 =	vmul.f32 v7, v12;
	v32 =	vld [tilespmem:$0x1F570];
	v4 =	vmul.f32 v10, v4  }
0x2d1: {  	v2 =	vmul.f32 v17, v2;
	v60 =	vld [tilespmem:$0x1FE60];
	[tilespmem:s28+$0xFFFFFF60] =	vst v5;
	v0 =	vmul.f32 v0, v33  }
0x2d2: {  	v3 =	vmul.f32 v31, v25;
	v9 =	vmul.f32 v34, v24;
	v43 =	vld [tilespmem:$0x1F570];
	[tilespmem:s28+$0xFFFFFF70] =	vst v4  }
0x2d3: {  	v52 =	vmul.f32 v27, v49;
	v21 =	vmul.f32 v53, v51;
	v47 =	vld [tilespmem:$0x1F570];
	[tilespmem:s28+$0xFFFFFF80] =	vst v0  }
0x2d4: {  	v53 =	vmul.f32 v13, v50;
	v3 =	vadd.f32 v9, v3;
	v10 =	vmul.f32 v35, v26;
	v54 =	vld [tilespmem:$0x1F570]  }
0x2d5: {  	v55 =	vmul.f32 v11, v15;
	v57 =	vmul.f32 v8, v48;
	v51 =	vadd.f32 v42, v40  }
0x2d6: {  	[tilespmem:s28+$0xFFFFFF90] =	vst v56;
	v1 =	vadd.f32 v53, v52;
	v44 =	vmul.f32 v32, v36;
	v3 =	vadd.f32 v3, v10  }
0x2d7: {  	s26 =	sadd.s32 $0x8, s26;
	v7 =	vadd.f32 v7, v55;
	[tilespmem:s28+$0xFFFFFFC0] =	vst v21;
	v59 =	vmul.f32 v43, v46;
	v0 =	vadd.f32 v51, v45  }
0x2d8: {  	p1 =	slt.u32 s26, $0xC0;
	v1 =	vadd.f32 v1, v57;
	[tilespmem:s28+$0xFFFFFFA0] =	vst v58;
	v3 =	vmul.f32 v44, v3;
	v61 =	vmul.f32 v47, v6  }
.Ltmp6:
0x2d9: {  	v2 =	vadd.f32 v7, v2;
	[tilespmem:s28+$0xFFFFFFB0] =	vst v60;
	v0 =	vmul.f32 v59, v0;
	v62 =	vmul.f32 v54, v14;
	(pc) =	sbr.rel @p1 .LBB2_6-.Ltmp6, $4  }
0x2da: {  	[tilespmem:s28+$0xFFFFFFD0] =	vst v3;
	v1 =	vmul.f32 v61, v1  }
0x2db: {  	[tilespmem:s28+$0xFFFFFFE0] =	vst v0;
	v63 =	vmul.f32 v62, v2  }
0x2dc: {  	[tilespmem:s28+$0xFFFFFFF0] =	vst v1  }
0x2dd: {  	s29 =	sadd.s32 $0x800, s29;
	[tilespmem:s28+$0x0] =	vst v63;
	s28 =	sadd.s32 $0x100, s28  }
.Ltmp7:
0x2de: {  	(pc) =	sbr.rel .LBB2_8-.Ltmp7, $3  }
0x2df: {  	s25 =	smul.u32 $0x320, s25;
	_ =	sdelay $0x1  }
0x2e0: {  	s25 =	sadd.s32 s5, s25  }
0x2e1: {  	[hbm4b:s25+s18] =	stream.strided.scatter [tilespmem:s21], [sflag:$0x4], $0x3200, s19, s18, $0x38;
	[tilespmem:$0x1F580] =	vst v63  }
.LBB2_10:
0x2e2: {  	_ =	sfence.sel $0x180000  }
0x2e3: {  	[bflag:$0x0] =	sbarrier.arrive $0xFFFF  }
0x2e4: {  	p0 =	sne.s32 s3, $0x0;
	_ =	strace $0x90000047  }
0x2e5: {  	s0 =	sadd.s32 @!p0 $0x100000, s2;
	[bflag:$0x2] =	sbarrier.arrive $0xFFFF  }
0x2e6: {  	[sflag:s0] =	ssyncadd.tile.s32 @!p0 $0x1;
	_ =	shalt  }
.Lfunc_end2:
_tile_overlayer_lowered:
.L_overlay_start_2:
0x2e7: {  	(tag) =	ssettag $0x2  }
0x2e8: {  	s0 =	rddreg [dreg:$0x0];
	s2 =	stileid.u32  }
0x2e9: {  	s1 =	rddreg [dreg:$0x1];
	p0 =	sne.s32 s2, $0x0  }
0x2ea: {  	s3 =	rddreg [dreg:$0x2];
	[bflag:$0x3] =	sbarrier.arrive $0xFFFF;
	s2 =	simm.s32 @!p0 $0x1C05  }
0x2eb: {  	[timem:s3], [sflag:s2] =	dma.local @!p0 [hbm:s0], s1  }
0x2ec: {  	s0 =	simm.s32 @!p0 $0x5  }
0x2ed: {  	_ =	swait.ge @!p0 [sflag:s0], s1  }
0x2ee: {  	s1 =	ssub.s32 @!p0 $0x0, s1;
	[sflag:s0] =	ssyncset.done @!p0 $0x0  }
0x2ef: {  	[sflag:s0] =	ssyncadd.s32 @!p0 s1  }
0x2f0: {  	[bflag:$0x3] =	sbarrier.arrive $0xFFFF  }
0x2f1: {  	_ =	shalt  }

</sc_bundles>
